<compile_context>
chip_gen: v7x
topology: tpu7x:2x2x1
jax: 0.10.2.dev20260603
libtpu: 0.0.44.dev20260713+nightly
codegen_flags: <defaults>
</compile_context>

<pallas_src>
import jax
import jax.numpy as jnp
from jax import lax
from jax.experimental import pallas as pl
from jax.experimental.pallas import tpu as pltpu
from jax.experimental.pallas import tpu_sc as plsc

D_EMBED = 128
MAX_LEN = 2048

NC = 2
NS = 16
NW = NC * NS

CHUNK = 64
GC = 1
GROUP = GC * CHUNK
NBUF = 10


def _sc_body(embed_hbm, time_hbm, table_hbm, out_hbm, idx_v, buf_v,
             table_sp, *sems):
    esem = sems[:NBUF]
    gsem = sems[NBUF:2 * NBUF]
    osem = sems[2 * NBUF:]

    sid = lax.axis_index("s")
    wid = sid * NC + lax.axis_index("c")
    n_rows = embed_hbm.shape[0]
    rows_per_w = n_rows // NW
    n_groups = rows_per_w // GROUP
    n_main = (n_groups // NBUF) * NBUF
    base = wid * rows_per_w

    def slot(b):
        return buf_v.at[pl.ds(b * GROUP, GROUP)]

    for b in range(NBUF):
        pltpu.async_copy(embed_hbm.at[pl.ds(base + b * GROUP, GROUP)],
                         slot(b), esem[b])

    t_rows = MAX_LEN // NS
    pltpu.sync_copy(table_hbm.at[pl.ds(sid * t_rows, t_rows)],
                    table_sp.at[pl.ds(sid * t_rows, t_rows)])
    plsc.subcore_barrier()

    pltpu.sync_copy(time_hbm.at[pl.ds(base, rows_per_w)], idx_v)

    def do_group(g, b):
        row_g = base + g * GROUP
        off_g = g * GROUP
        pltpu.make_async_copy(
            embed_hbm.at[pl.ds(row_g, GROUP)], slot(b), esem[b]).wait()
        gathers = []
        for j in range(GC):
            gathers.append(pltpu.async_copy(
                table_sp.at[idx_v.at[pl.ds(off_g + j * CHUNK, CHUNK)]],
                buf_v.at[pl.ds(b * GROUP + j * CHUNK, CHUNK)],
                gsem[b], add=True))
        for cp in gathers:
            cp.wait()
        store = pltpu.async_copy(
            slot(b), out_hbm.at[pl.ds(row_g, GROUP)], osem[b])
        return store

    def group_body(it, _):
        g0 = it * NBUF
        stores = []
        for b in range(NBUF):
            stores.append(do_group(g0 + b, b))
        for b in range(NBUF):
            stores[b].wait()

            @pl.when(g0 + NBUF + b < n_groups)
            def _():
                pltpu.async_copy(
                    embed_hbm.at[
                        pl.ds(base + (g0 + NBUF + b) * GROUP, GROUP)],
                    slot(b), esem[b])
        return ()

    lax.fori_loop(0, n_main // NBUF, group_body, ())

    for g in range(n_main, n_groups):
        b = g - n_main
        do_group(g, b).wait()


@jax.jit
def _temporal_encoding_sc(embed_flat, time1d, table):
    n_rows = embed_flat.shape[0]
    mesh = plsc.VectorSubcoreMesh(core_axis_name="c", subcore_axis_name="s")
    return pl.kernel(
        _sc_body,
        out_type=jax.ShapeDtypeStruct((n_rows, D_EMBED), jnp.float32),
        mesh=mesh,
        scratch_types=[
            pltpu.VMEM((n_rows // NW,), jnp.int32),
            pltpu.VMEM((NBUF * GROUP, D_EMBED), jnp.float32),
            pltpu.VMEM_SHARED((MAX_LEN, D_EMBED), jnp.float32),
        ] + [pltpu.SemaphoreType.DMA] * (3 * NBUF),
        name="temporal_encoding_sc",
    )(embed_flat, time1d, table)


def kernel(embed, time, embeddings):
    b, t, d = embed.shape
    n_rows = b * t
    embed_flat = embed.reshape(n_rows, d)
    time1d = time.astype(jnp.int32).reshape(n_rows)
    out = _temporal_encoding_sc(embed_flat, time1d, embeddings)
    return out.reshape(b, t, d)

# --- scband reference (transcript-rebuilt; emitter-appended) ---
"""Pipeline reference for scband-temporal-encoding-369367188201 (READ-ONLY COPY).

The authoritative reference and input builder live on the scoring server;
editing this copy changes nothing except your own understanding.
"""

import jax, jax.numpy as jnp
import numpy as np

D_EMBED = 128
MAX_LEN = 2048

def _build_embeddings():
    position = np.arange(0, MAX_LEN)[:, np.newaxis]
    div_term = np.exp(np.arange(0, D_EMBED, 2) * -np.log(10000) / D_EMBED)
    sinusoids = np.stack([np.sin(position * div_term), np.cos(position * div_term)], axis=-1).astype(np.float32)
    return jnp.asarray(sinusoids.reshape(MAX_LEN, -1))

def setup_inputs(seed: int = 0) -> dict:
    key = jax.random.key(seed)
    k1, k2 = jax.random.split(key)
    embed = jax.random.normal(k1, (1024, 200, D_EMBED), dtype=jnp.float32)
    time = jax.random.randint(k2, (1024, 200), 0, MAX_LEN, dtype=jnp.int64 if jax.config.read('jax_enable_x64') else jnp.int32)
    embeddings = _build_embeddings()
    return {"embed": embed, "time": time, "embeddings": embeddings}

def reference(embed, time, embeddings):
    # TemporalEncoding.forward: embed + embeddings[time]
    return embed + jnp.take(embeddings, time, axis=0)

if __name__ == "__main__":
    import jax
    _d = setup_inputs()
    print(jax.jit(kernel)(*tuple(_d.values())))

</pallas_src>

<mosaic_0001>
#map = affine_map<(d0, d1) -> (0, 0)>
#map1 = affine_map<(d0, d1) -> (0)>
module attributes {stable_mosaic.version = 14 : i64} {
  func.func @temporal_encoding_sc(%arg0: i32, %arg1: i32, %arg2: memref<204800x128xf32, #tpu.memory_space<hbm>>, %arg3: memref<204800xi32, #tpu.memory_space<hbm>>, %arg4: memref<2048x128xf32, #tpu.memory_space<hbm>>, %arg5: memref<204800x128xf32, #tpu.memory_space<hbm>>, %arg6: memref<6400xi32, #tpu.memory_space<vmem>>, %arg7: memref<640x128xf32, #tpu.memory_space<vmem>>, %arg8: memref<2048x128xf32, #tpu.memory_space<vmem_shared>>, %arg9: memref<!tpu.dma_semaphore, #tpu.memory_space<semaphore_mem>>, %arg10: memref<!tpu.dma_semaphore, #tpu.memory_space<semaphore_mem>>, %arg11: memref<!tpu.dma_semaphore, #tpu.memory_space<semaphore_mem>>, %arg12: memref<!tpu.dma_semaphore, #tpu.memory_space<semaphore_mem>>, %arg13: memref<!tpu.dma_semaphore, #tpu.memory_space<semaphore_mem>>, %arg14: memref<!tpu.dma_semaphore, #tpu.memory_space<semaphore_mem>>, %arg15: memref<!tpu.dma_semaphore, #tpu.memory_space<semaphore_mem>>, %arg16: memref<!tpu.dma_semaphore, #tpu.memory_space<semaphore_mem>>, %arg17: memref<!tpu.dma_semaphore, #tpu.memory_space<semaphore_mem>>, %arg18: memref<!tpu.dma_semaphore, #tpu.memory_space<semaphore_mem>>, %arg19: memref<!tpu.dma_semaphore, #tpu.memory_space<semaphore_mem>>, %arg20: memref<!tpu.dma_semaphore, #tpu.memory_space<semaphore_mem>>, %arg21: memref<!tpu.dma_semaphore, #tpu.memory_space<semaphore_mem>>, %arg22: memref<!tpu.dma_semaphore, #tpu.memory_space<semaphore_mem>>, %arg23: memref<!tpu.dma_semaphore, #tpu.memory_space<semaphore_mem>>, %arg24: memref<!tpu.dma_semaphore, #tpu.memory_space<semaphore_mem>>, %arg25: memref<!tpu.dma_semaphore, #tpu.memory_space<semaphore_mem>>, %arg26: memref<!tpu.dma_semaphore, #tpu.memory_space<semaphore_mem>>, %arg27: memref<!tpu.dma_semaphore, #tpu.memory_space<semaphore_mem>>, %arg28: memref<!tpu.dma_semaphore, #tpu.memory_space<semaphore_mem>>, %arg29: memref<!tpu.dma_semaphore, #tpu.memory_space<semaphore_mem>>, %arg30: memref<!tpu.dma_semaphore, #tpu.memory_space<semaphore_mem>>, %arg31: memref<!tpu.dma_semaphore, #tpu.memory_space<semaphore_mem>>, %arg32: memref<!tpu.dma_semaphore, #tpu.memory_space<semaphore_mem>>, %arg33: memref<!tpu.dma_semaphore, #tpu.memory_space<semaphore_mem>>, %arg34: memref<!tpu.dma_semaphore, #tpu.memory_space<semaphore_mem>>, %arg35: memref<!tpu.dma_semaphore, #tpu.memory_space<semaphore_mem>>, %arg36: memref<!tpu.dma_semaphore, #tpu.memory_space<semaphore_mem>>, %arg37: memref<!tpu.dma_semaphore, #tpu.memory_space<semaphore_mem>>, %arg38: memref<!tpu.dma_semaphore, #tpu.memory_space<semaphore_mem>>) attributes {dimension_semantics = [#tpu.dimension_semantics<core_parallel>, #tpu.dimension_semantics<subcore_parallel>], iteration_bounds = array<i64: 2, 16>, scalar_prefetch = 0 : i64, scratch_operands = 33 : i64, tpu.core_type = #tpu.core_type<sc_vector_subcore>, window_params = [{transform_indices = #map}, {transform_indices = #map1}, {transform_indices = #map}, {transform_indices = #map}]} {
    %mul3A = arith.constant 2 : i32
    %mul3A_0 = arith.muli %arg1, %mul3A : i32
    %add3A = arith.addi %mul3A_0, %arg0 : i32
    %mul3A_1 = arith.constant 6400 : i32
    %mul3A_2 = arith.muli %add3A, %mul3A_1 : i32
    %add3A_3 = arith.constant 0 : i32
    %add3A_4 = arith.addi %mul3A_2, %add3A_3 : i32
    %dma_start3A = arith.constant 0 : i32
    %dma_start3A_5 = arith.constant 0 : i32
    %dma_start3A_6 = tpu.memref_slice %arg7[%dma_start3A, %dma_start3A_5] : memref<640x128xf32, #tpu.memory_space<vmem>> -> memref<64x128xf32, #tpu.memory_space<vmem>>
    %dma_start3A_7 = arith.constant 0 : i32
    %dma_start3A_8 = tpu.memref_slice %arg2[%add3A_4, %dma_start3A_7] : memref<204800x128xf32, #tpu.memory_space<hbm>> -> memref<64x128xf32, #tpu.memory_space<hbm>>
    %dma_start3A_9 = arith.constant 0 : i32
    %dma_start3A_10 = arith.constant 0 : i32
    %dma_start3A_11 = tpu.memref_slice %arg7[%dma_start3A_9, %dma_start3A_10] : memref<640x128xf32, #tpu.memory_space<vmem>> -> memref<64x128xf32, #tpu.memory_space<vmem>>
    %dma_start3A_12 = arith.constant 0 : i32
    %dma_start3A_13 = tpu.memref_slice %arg2[%add3A_4, %dma_start3A_12] : memref<204800x128xf32, #tpu.memory_space<hbm>> -> memref<64x128xf32, #tpu.memory_space<hbm>>
    tpu.enqueue_dma source(%dma_start3A_13 : memref<64x128xf32, #tpu.memory_space<hbm>>) target(%dma_start3A_11 : memref<64x128xf32, #tpu.memory_space<vmem>>) target_semaphore(%arg9 : memref<!tpu.dma_semaphore, #tpu.memory_space<semaphore_mem>>)
    %add3A_14 = arith.constant 64 : i32
    %add3A_15 = arith.addi %mul3A_2, %add3A_14 : i32
    %dma_start3A_16 = arith.constant 64 : i32
    %dma_start3A_17 = arith.constant 0 : i32
    %dma_start3A_18 = tpu.memref_slice %arg7[%dma_start3A_16, %dma_start3A_17] : memref<640x128xf32, #tpu.memory_space<vmem>> -> memref<64x128xf32, #tpu.memory_space<vmem>>
    %dma_start3A_19 = arith.constant 0 : i32
    %dma_start3A_20 = tpu.memref_slice %arg2[%add3A_15, %dma_start3A_19] : memref<204800x128xf32, #tpu.memory_space<hbm>> -> memref<64x128xf32, #tpu.memory_space<hbm>>
    %dma_start3A_21 = arith.constant 64 : i32
    %dma_start3A_22 = arith.constant 0 : i32
    %dma_start3A_23 = tpu.memref_slice %arg7[%dma_start3A_21, %dma_start3A_22] : memref<640x128xf32, #tpu.memory_space<vmem>> -> memref<64x128xf32, #tpu.memory_space<vmem>>
    %dma_start3A_24 = arith.constant 0 : i32
    %dma_start3A_25 = tpu.memref_slice %arg2[%add3A_15, %dma_start3A_24] : memref<204800x128xf32, #tpu.memory_space<hbm>> -> memref<64x128xf32, #tpu.memory_space<hbm>>
    tpu.enqueue_dma source(%dma_start3A_25 : memref<64x128xf32, #tpu.memory_space<hbm>>) target(%dma_start3A_23 : memref<64x128xf32, #tpu.memory_space<vmem>>) target_semaphore(%arg10 : memref<!tpu.dma_semaphore, #tpu.memory_space<semaphore_mem>>)
    %add3A_26 = arith.constant 128 : i32
    %add3A_27 = arith.addi %mul3A_2, %add3A_26 : i32
    %dma_start3A_28 = arith.constant 128 : i32
    %dma_start3A_29 = arith.constant 0 : i32
    %dma_start3A_30 = tpu.memref_slice %arg7[%dma_start3A_28, %dma_start3A_29] : memref<640x128xf32, #tpu.memory_space<vmem>> -> memref<64x128xf32, #tpu.memory_space<vmem>>
    %dma_start3A_31 = arith.constant 0 : i32
    %dma_start3A_32 = tpu.memref_slice %arg2[%add3A_27, %dma_start3A_31] : memref<204800x128xf32, #tpu.memory_space<hbm>> -> memref<64x128xf32, #tpu.memory_space<hbm>>
    %dma_start3A_33 = arith.constant 128 : i32
    %dma_start3A_34 = arith.constant 0 : i32
    %dma_start3A_35 = tpu.memref_slice %arg7[%dma_start3A_33, %dma_start3A_34] : memref<640x128xf32, #tpu.memory_space<vmem>> -> memref<64x128xf32, #tpu.memory_space<vmem>>
    %dma_start3A_36 = arith.constant 0 : i32
    %dma_start3A_37 = tpu.memref_slice %arg2[%add3A_27, %dma_start3A_36] : memref<204800x128xf32, #tpu.memory_space<hbm>> -> memref<64x128xf32, #tpu.memory_space<hbm>>
    tpu.enqueue_dma source(%dma_start3A_37 : memref<64x128xf32, #tpu.memory_space<hbm>>) target(%dma_start3A_35 : memref<64x128xf32, #tpu.memory_space<vmem>>) target_semaphore(%arg11 : memref<!tpu.dma_semaphore, #tpu.memory_space<semaphore_mem>>)
    %add3A_38 = arith.constant 192 : i32
    %add3A_39 = arith.addi %mul3A_2, %add3A_38 : i32
    %dma_start3A_40 = arith.constant 192 : i32
    %dma_start3A_41 = arith.constant 0 : i32
    %dma_start3A_42 = tpu.memref_slice %arg7[%dma_start3A_40, %dma_start3A_41] : memref<640x128xf32, #tpu.memory_space<vmem>> -> memref<64x128xf32, #tpu.memory_space<vmem>>
    %dma_start3A_43 = arith.constant 0 : i32
    %dma_start3A_44 = tpu.memref_slice %arg2[%add3A_39, %dma_start3A_43] : memref<204800x128xf32, #tpu.memory_space<hbm>> -> memref<64x128xf32, #tpu.memory_space<hbm>>
    %dma_start3A_45 = arith.constant 192 : i32
    %dma_start3A_46 = arith.constant 0 : i32
    %dma_start3A_47 = tpu.memref_slice %arg7[%dma_start3A_45, %dma_start3A_46] : memref<640x128xf32, #tpu.memory_space<vmem>> -> memref<64x128xf32, #tpu.memory_space<vmem>>
    %dma_start3A_48 = arith.constant 0 : i32
    %dma_start3A_49 = tpu.memref_slice %arg2[%add3A_39, %dma_start3A_48] : memref<204800x128xf32, #tpu.memory_space<hbm>> -> memref<64x128xf32, #tpu.memory_space<hbm>>
    tpu.enqueue_dma source(%dma_start3A_49 : memref<64x128xf32, #tpu.memory_space<hbm>>) target(%dma_start3A_47 : memref<64x128xf32, #tpu.memory_space<vmem>>) target_semaphore(%arg12 : memref<!tpu.dma_semaphore, #tpu.memory_space<semaphore_mem>>)
    %add3A_50 = arith.constant 256 : i32
    %add3A_51 = arith.addi %mul3A_2, %add3A_50 : i32
    %dma_start3A_52 = arith.constant 256 : i32
    %dma_start3A_53 = arith.constant 0 : i32
    %dma_start3A_54 = tpu.memref_slice %arg7[%dma_start3A_52, %dma_start3A_53] : memref<640x128xf32, #tpu.memory_space<vmem>> -> memref<64x128xf32, #tpu.memory_space<vmem>>
    %dma_start3A_55 = arith.constant 0 : i32
    %dma_start3A_56 = tpu.memref_slice %arg2[%add3A_51, %dma_start3A_55] : memref<204800x128xf32, #tpu.memory_space<hbm>> -> memref<64x128xf32, #tpu.memory_space<hbm>>
    %dma_start3A_57 = arith.constant 256 : i32
    %dma_start3A_58 = arith.constant 0 : i32
    %dma_start3A_59 = tpu.memref_slice %arg7[%dma_start3A_57, %dma_start3A_58] : memref<640x128xf32, #tpu.memory_space<vmem>> -> memref<64x128xf32, #tpu.memory_space<vmem>>
    %dma_start3A_60 = arith.constant 0 : i32
    %dma_start3A_61 = tpu.memref_slice %arg2[%add3A_51, %dma_start3A_60] : memref<204800x128xf32, #tpu.memory_space<hbm>> -> memref<64x128xf32, #tpu.memory_space<hbm>>
    tpu.enqueue_dma source(%dma_start3A_61 : memref<64x128xf32, #tpu.memory_space<hbm>>) target(%dma_start3A_59 : memref<64x128xf32, #tpu.memory_space<vmem>>) target_semaphore(%arg13 : memref<!tpu.dma_semaphore, #tpu.memory_space<semaphore_mem>>)
    %add3A_62 = arith.constant 320 : i32
    %add3A_63 = arith.addi %mul3A_2, %add3A_62 : i32
    %dma_start3A_64 = arith.constant 320 : i32
    %dma_start3A_65 = arith.constant 0 : i32
    %dma_start3A_66 = tpu.memref_slice %arg7[%dma_start3A_64, %dma_start3A_65] : memref<640x128xf32, #tpu.memory_space<vmem>> -> memref<64x128xf32, #tpu.memory_space<vmem>>
    %dma_start3A_67 = arith.constant 0 : i32
    %dma_start3A_68 = tpu.memref_slice %arg2[%add3A_63, %dma_start3A_67] : memref<204800x128xf32, #tpu.memory_space<hbm>> -> memref<64x128xf32, #tpu.memory_space<hbm>>
    %dma_start3A_69 = arith.constant 320 : i32
    %dma_start3A_70 = arith.constant 0 : i32
    %dma_start3A_71 = tpu.memref_slice %arg7[%dma_start3A_69, %dma_start3A_70] : memref<640x128xf32, #tpu.memory_space<vmem>> -> memref<64x128xf32, #tpu.memory_space<vmem>>
    %dma_start3A_72 = arith.constant 0 : i32
    %dma_start3A_73 = tpu.memref_slice %arg2[%add3A_63, %dma_start3A_72] : memref<204800x128xf32, #tpu.memory_space<hbm>> -> memref<64x128xf32, #tpu.memory_space<hbm>>
    tpu.enqueue_dma source(%dma_start3A_73 : memref<64x128xf32, #tpu.memory_space<hbm>>) target(%dma_start3A_71 : memref<64x128xf32, #tpu.memory_space<vmem>>) target_semaphore(%arg14 : memref<!tpu.dma_semaphore, #tpu.memory_space<semaphore_mem>>)
    %add3A_74 = arith.constant 384 : i32
    %add3A_75 = arith.addi %mul3A_2, %add3A_74 : i32
    %dma_start3A_76 = arith.constant 384 : i32
    %dma_start3A_77 = arith.constant 0 : i32
    %dma_start3A_78 = tpu.memref_slice %arg7[%dma_start3A_76, %dma_start3A_77] : memref<640x128xf32, #tpu.memory_space<vmem>> -> memref<64x128xf32, #tpu.memory_space<vmem>>
    %dma_start3A_79 = arith.constant 0 : i32
    %dma_start3A_80 = tpu.memref_slice %arg2[%add3A_75, %dma_start3A_79] : memref<204800x128xf32, #tpu.memory_space<hbm>> -> memref<64x128xf32, #tpu.memory_space<hbm>>
    %dma_start3A_81 = arith.constant 384 : i32
    %dma_start3A_82 = arith.constant 0 : i32
    %dma_start3A_83 = tpu.memref_slice %arg7[%dma_start3A_81, %dma_start3A_82] : memref<640x128xf32, #tpu.memory_space<vmem>> -> memref<64x128xf32, #tpu.memory_space<vmem>>
    %dma_start3A_84 = arith.constant 0 : i32
    %dma_start3A_85 = tpu.memref_slice %arg2[%add3A_75, %dma_start3A_84] : memref<204800x128xf32, #tpu.memory_space<hbm>> -> memref<64x128xf32, #tpu.memory_space<hbm>>
    tpu.enqueue_dma source(%dma_start3A_85 : memref<64x128xf32, #tpu.memory_space<hbm>>) target(%dma_start3A_83 : memref<64x128xf32, #tpu.memory_space<vmem>>) target_semaphore(%arg15 : memref<!tpu.dma_semaphore, #tpu.memory_space<semaphore_mem>>)
    %add3A_86 = arith.constant 448 : i32
    %add3A_87 = arith.addi %mul3A_2, %add3A_86 : i32
    %dma_start3A_88 = arith.constant 448 : i32
    %dma_start3A_89 = arith.constant 0 : i32
    %dma_start3A_90 = tpu.memref_slice %arg7[%dma_start3A_88, %dma_start3A_89] : memref<640x128xf32, #tpu.memory_space<vmem>> -> memref<64x128xf32, #tpu.memory_space<vmem>>
    %dma_start3A_91 = arith.constant 0 : i32
    %dma_start3A_92 = tpu.memref_slice %arg2[%add3A_87, %dma_start3A_91] : memref<204800x128xf32, #tpu.memory_space<hbm>> -> memref<64x128xf32, #tpu.memory_space<hbm>>
    %dma_start3A_93 = arith.constant 448 : i32
    %dma_start3A_94 = arith.constant 0 : i32
    %dma_start3A_95 = tpu.memref_slice %arg7[%dma_start3A_93, %dma_start3A_94] : memref<640x128xf32, #tpu.memory_space<vmem>> -> memref<64x128xf32, #tpu.memory_space<vmem>>
    %dma_start3A_96 = arith.constant 0 : i32
    %dma_start3A_97 = tpu.memref_slice %arg2[%add3A_87, %dma_start3A_96] : memref<204800x128xf32, #tpu.memory_space<hbm>> -> memref<64x128xf32, #tpu.memory_space<hbm>>
    tpu.enqueue_dma source(%dma_start3A_97 : memref<64x128xf32, #tpu.memory_space<hbm>>) target(%dma_start3A_95 : memref<64x128xf32, #tpu.memory_space<vmem>>) target_semaphore(%arg16 : memref<!tpu.dma_semaphore, #tpu.memory_space<semaphore_mem>>)
    %add3A_98 = arith.constant 512 : i32
    %add3A_99 = arith.addi %mul3A_2, %add3A_98 : i32
    %dma_start3A_100 = arith.constant 512 : i32
    %dma_start3A_101 = arith.constant 0 : i32
    %dma_start3A_102 = tpu.memref_slice %arg7[%dma_start3A_100, %dma_start3A_101] : memref<640x128xf32, #tpu.memory_space<vmem>> -> memref<64x128xf32, #tpu.memory_space<vmem>>
    %dma_start3A_103 = arith.constant 0 : i32
    %dma_start3A_104 = tpu.memref_slice %arg2[%add3A_99, %dma_start3A_103] : memref<204800x128xf32, #tpu.memory_space<hbm>> -> memref<64x128xf32, #tpu.memory_space<hbm>>
    %dma_start3A_105 = arith.constant 512 : i32
    %dma_start3A_106 = arith.constant 0 : i32
    %dma_start3A_107 = tpu.memref_slice %arg7[%dma_start3A_105, %dma_start3A_106] : memref<640x128xf32, #tpu.memory_space<vmem>> -> memref<64x128xf32, #tpu.memory_space<vmem>>
    %dma_start3A_108 = arith.constant 0 : i32
    %dma_start3A_109 = tpu.memref_slice %arg2[%add3A_99, %dma_start3A_108] : memref<204800x128xf32, #tpu.memory_space<hbm>> -> memref<64x128xf32, #tpu.memory_space<hbm>>
    tpu.enqueue_dma source(%dma_start3A_109 : memref<64x128xf32, #tpu.memory_space<hbm>>) target(%dma_start3A_107 : memref<64x128xf32, #tpu.memory_space<vmem>>) target_semaphore(%arg17 : memref<!tpu.dma_semaphore, #tpu.memory_space<semaphore_mem>>)
    %add3A_110 = arith.constant 576 : i32
    %add3A_111 = arith.addi %mul3A_2, %add3A_110 : i32
    %dma_start3A_112 = arith.constant 576 : i32
    %dma_start3A_113 = arith.constant 0 : i32
    %dma_start3A_114 = tpu.memref_slice %arg7[%dma_start3A_112, %dma_start3A_113] : memref<640x128xf32, #tpu.memory_space<vmem>> -> memref<64x128xf32, #tpu.memory_space<vmem>>
    %dma_start3A_115 = arith.constant 0 : i32
    %dma_start3A_116 = tpu.memref_slice %arg2[%add3A_111, %dma_start3A_115] : memref<204800x128xf32, #tpu.memory_space<hbm>> -> memref<64x128xf32, #tpu.memory_space<hbm>>
    %dma_start3A_117 = arith.constant 576 : i32
    %dma_start3A_118 = arith.constant 0 : i32
    %dma_start3A_119 = tpu.memref_slice %arg7[%dma_start3A_117, %dma_start3A_118] : memref<640x128xf32, #tpu.memory_space<vmem>> -> memref<64x128xf32, #tpu.memory_space<vmem>>
    %dma_start3A_120 = arith.constant 0 : i32
    %dma_start3A_121 = tpu.memref_slice %arg2[%add3A_111, %dma_start3A_120] : memref<204800x128xf32, #tpu.memory_space<hbm>> -> memref<64x128xf32, #tpu.memory_space<hbm>>
    tpu.enqueue_dma source(%dma_start3A_121 : memref<64x128xf32, #tpu.memory_space<hbm>>) target(%dma_start3A_119 : memref<64x128xf32, #tpu.memory_space<vmem>>) target_semaphore(%arg18 : memref<!tpu.dma_semaphore, #tpu.memory_space<semaphore_mem>>)
    %mul3A_122 = arith.constant 128 : i32
    %mul3A_123 = arith.muli %arg1, %mul3A_122 : i32
    %mul3A_124 = arith.constant 128 : i32
    %mul3A_125 = arith.muli %arg1, %mul3A_124 : i32
    "tpu.region"() ({
      %run_scoped3A = tpu.sem_alloc : memref<!tpu.dma_semaphore, #tpu.memory_space<semaphore_mem>>
      %dma_start3A_130 = arith.constant 0 : i32
      %dma_start3A_131 = tpu.memref_slice %arg8[%mul3A_125, %dma_start3A_130] : memref<2048x128xf32, #tpu.memory_space<vmem_shared>> -> memref<128x128xf32, #tpu.memory_space<vmem_shared>>
      %dma_start3A_132 = arith.constant 0 : i32
      %dma_start3A_133 = tpu.memref_slice %arg4[%mul3A_123, %dma_start3A_132] : memref<2048x128xf32, #tpu.memory_space<hbm>> -> memref<128x128xf32, #tpu.memory_space<hbm>>
      tpu.enqueue_dma source(%dma_start3A_133 : memref<128x128xf32, #tpu.memory_space<hbm>>) target(%dma_start3A_131 : memref<128x128xf32, #tpu.memory_space<vmem_shared>>) target_semaphore(%run_scoped3A : memref<!tpu.dma_semaphore, #tpu.memory_space<semaphore_mem>>)
      %dma_wait3A = arith.constant 0 : i32
      %dma_wait3A_134 = tpu.memref_slice %arg8[%mul3A_125, %dma_wait3A] : memref<2048x128xf32, #tpu.memory_space<vmem_shared>> -> memref<128x128xf32, #tpu.memory_space<vmem_shared>>
      %dma_wait3A_135 = arith.constant 0 : i32
      %dma_wait3A_136 = tpu.memref_slice %arg4[%mul3A_123, %dma_wait3A_135] : memref<2048x128xf32, #tpu.memory_space<hbm>> -> memref<128x128xf32, #tpu.memory_space<hbm>>
      tpu.wait_dma2 semaphore(%run_scoped3A : memref<!tpu.dma_semaphore, #tpu.memory_space<semaphore_mem>>) src(%dma_wait3A_136 : memref<128x128xf32, #tpu.memory_space<hbm>>) dst(%dma_wait3A_134 : memref<128x128xf32, #tpu.memory_space<vmem_shared>>)
      tpu.yield
    }) : () -> ()
    %barrier3A = arith.constant 0 : index
    tpu.barrier barrier_id(%barrier3A)
    "tpu.region"() ({
      %run_scoped3A = tpu.sem_alloc : memref<!tpu.dma_semaphore, #tpu.memory_space<semaphore_mem>>
      %dma_start3A_130 = tpu.memref_slice %arg3[%mul3A_2] : memref<204800xi32, #tpu.memory_space<hbm>> -> memref<6400xi32, #tpu.memory_space<hbm>>
      %dma_start3A_131 = tpu.memref_slice %arg3[%mul3A_2] : memref<204800xi32, #tpu.memory_space<hbm>> -> memref<6400xi32, #tpu.memory_space<hbm>>
      tpu.enqueue_dma source(%dma_start3A_131 : memref<6400xi32, #tpu.memory_space<hbm>>) target(%arg6 : memref<6400xi32, #tpu.memory_space<vmem>>) target_semaphore(%run_scoped3A : memref<!tpu.dma_semaphore, #tpu.memory_space<semaphore_mem>>)
      %dma_wait3A = tpu.memref_slice %arg3[%mul3A_2] : memref<204800xi32, #tpu.memory_space<hbm>> -> memref<6400xi32, #tpu.memory_space<hbm>>
      %dma_wait3A_132 = tpu.memref_slice %arg3[%mul3A_2] : memref<204800xi32, #tpu.memory_space<hbm>> -> memref<6400xi32, #tpu.memory_space<hbm>>
      tpu.wait_dma2 semaphore(%run_scoped3A : memref<!tpu.dma_semaphore, #tpu.memory_space<semaphore_mem>>) src(%dma_wait3A_132 : memref<6400xi32, #tpu.memory_space<hbm>>) dst(%arg6 : memref<6400xi32, #tpu.memory_space<vmem>>)
      tpu.yield
    }) : () -> ()
    %scan3A = arith.constant 0 : i32
    %scan3A_126 = arith.constant 10 : i32
    %scan3A_127 = arith.addi %scan3A, %scan3A_126 : i32
    %scan3A_128 = arith.constant 1 : i32
    scf.for %scan3A_130 = %scan3A to %scan3A_127 step %scan3A_128  : i32 {
      %mul3A_131 = arith.constant 10 : i32
      %mul3A_132 = arith.muli %scan3A_130, %mul3A_131 : i32
      %add3A_133 = arith.constant 0 : i32
      %add3A_134 = arith.addi %mul3A_132, %add3A_133 : i32
      %mul3A_135 = arith.constant 64 : i32
      %mul3A_136 = arith.muli %add3A_134, %mul3A_135 : i32
      %add3A_137 = arith.addi %mul3A_2, %mul3A_136 : i32
      %mul3A_138 = arith.constant 64 : i32
      %mul3A_139 = arith.muli %add3A_134, %mul3A_138 : i32
      %dma_wait3A = arith.constant 0 : i32
      %dma_wait3A_140 = arith.constant 0 : i32
      %dma_wait3A_141 = tpu.memref_slice %arg7[%dma_wait3A, %dma_wait3A_140] : memref<640x128xf32, #tpu.memory_space<vmem>> -> memref<64x128xf32, #tpu.memory_space<vmem>>
      %dma_wait3A_142 = arith.constant 0 : i32
      %dma_wait3A_143 = tpu.memref_slice %arg2[%add3A_137, %dma_wait3A_142] : memref<204800x128xf32, #tpu.memory_space<hbm>> -> memref<64x128xf32, #tpu.memory_space<hbm>>
      %dma_wait3A_144 = arith.constant 0 : i32
      %dma_wait3A_145 = arith.constant 0 : i32
      %dma_wait3A_146 = tpu.memref_slice %arg7[%dma_wait3A_144, %dma_wait3A_145] : memref<640x128xf32, #tpu.memory_space<vmem>> -> memref<64x128xf32, #tpu.memory_space<vmem>>
      %dma_wait3A_147 = arith.constant 0 : i32
      %dma_wait3A_148 = tpu.memref_slice %arg2[%add3A_137, %dma_wait3A_147] : memref<204800x128xf32, #tpu.memory_space<hbm>> -> memref<64x128xf32, #tpu.memory_space<hbm>>
      tpu.wait_dma2 semaphore(%arg9 : memref<!tpu.dma_semaphore, #tpu.memory_space<semaphore_mem>>) src(%dma_wait3A_148 : memref<64x128xf32, #tpu.memory_space<hbm>>) dst(%dma_wait3A_146 : memref<64x128xf32, #tpu.memory_space<vmem>>)
      %add3A_149 = arith.constant 0 : i32
      %add3A_150 = arith.addi %mul3A_139, %add3A_149 : i32
      %dma_start3A_151 = arith.constant 0 : i32
      %dma_start3A_152 = arith.constant 0 : i32
      %dma_start3A_153 = tpu.memref_slice %arg7[%dma_start3A_151, %dma_start3A_152] : memref<640x128xf32, #tpu.memory_space<vmem>> -> memref<64x128xf32, #tpu.memory_space<vmem>>
      %dma_start3A_154 = tpu.memref_slice %arg6[%add3A_150] : memref<6400xi32, #tpu.memory_space<vmem>> -> memref<64xi32, #tpu.memory_space<vmem>>
      %dma_start3A_155 = arith.constant 0 : i32
      %dma_start3A_156 = arith.constant 0 : i32
      %dma_start3A_157 = tpu.memref_slice %arg8[%dma_start3A_155, %dma_start3A_156] : memref<2048x128xf32, #tpu.memory_space<vmem_shared>> -> memref<2048x128xf32, #tpu.memory_space<vmem_shared>>
      tpu.enqueue_indirect_dma source(%dma_start3A_157 : memref<2048x128xf32, #tpu.memory_space<vmem_shared>>) target(%dma_start3A_153 : memref<64x128xf32, #tpu.memory_space<vmem>>) offsets(%dma_start3A_154 : memref<64xi32, #tpu.memory_space<vmem>>) semaphore(%arg19 : memref<!tpu.dma_semaphore, #tpu.memory_space<semaphore_mem>>) {add = true}
      %dma_wait3A_158 = arith.constant 0 : i32
      %dma_wait3A_159 = arith.constant 0 : i32
      %dma_wait3A_160 = tpu.memref_slice %arg7[%dma_wait3A_158, %dma_wait3A_159] : memref<640x128xf32, #tpu.memory_space<vmem>> -> memref<64x128xf32, #tpu.memory_space<vmem>>
      %dma_wait3A_161 = tpu.memref_slice %arg6[%add3A_150] : memref<6400xi32, #tpu.memory_space<vmem>> -> memref<64xi32, #tpu.memory_space<vmem>>
      %dma_wait3A_162 = arith.constant 0 : i32
      %dma_wait3A_163 = arith.constant 0 : i32
      %dma_wait3A_164 = tpu.memref_slice %arg8[%dma_wait3A_162, %dma_wait3A_163] : memref<2048x128xf32, #tpu.memory_space<vmem_shared>> -> memref<2048x128xf32, #tpu.memory_space<vmem_shared>>
      tpu.wait_indirect_dma semaphore(%arg19 : memref<!tpu.dma_semaphore, #tpu.memory_space<semaphore_mem>>) src(%dma_wait3A_164 : memref<2048x128xf32, #tpu.memory_space<vmem_shared>>) dst(%dma_wait3A_160 : memref<64x128xf32, #tpu.memory_space<vmem>>)
      %dma_start3A_165 = arith.constant 0 : i32
      %dma_start3A_166 = arith.constant 0 : i32
      %dma_start3A_167 = tpu.memref_slice %arg7[%dma_start3A_165, %dma_start3A_166] : memref<640x128xf32, #tpu.memory_space<vmem>> -> memref<64x128xf32, #tpu.memory_space<vmem>>
      %dma_start3A_168 = arith.constant 0 : i32
      %dma_start3A_169 = tpu.memref_slice %arg5[%add3A_137, %dma_start3A_168] : memref<204800x128xf32, #tpu.memory_space<hbm>> -> memref<64x128xf32, #tpu.memory_space<hbm>>
      %dma_start3A_170 = arith.constant 0 : i32
      %dma_start3A_171 = tpu.memref_slice %arg5[%add3A_137, %dma_start3A_170] : memref<204800x128xf32, #tpu.memory_space<hbm>> -> memref<64x128xf32, #tpu.memory_space<hbm>>
      %dma_start3A_172 = arith.constant 0 : i32
      %dma_start3A_173 = arith.constant 0 : i32
      %dma_start3A_174 = tpu.memref_slice %arg7[%dma_start3A_172, %dma_start3A_173] : memref<640x128xf32, #tpu.memory_space<vmem>> -> memref<64x128xf32, #tpu.memory_space<vmem>>
      tpu.enqueue_dma source(%dma_start3A_174 : memref<64x128xf32, #tpu.memory_space<vmem>>) target(%dma_start3A_171 : memref<64x128xf32, #tpu.memory_space<hbm>>) target_semaphore(%arg29 : memref<!tpu.dma_semaphore, #tpu.memory_space<semaphore_mem>>)
      %add3A_175 = arith.constant 1 : i32
      %add3A_176 = arith.addi %mul3A_132, %add3A_175 : i32
      %mul3A_177 = arith.constant 64 : i32
      %mul3A_178 = arith.muli %add3A_176, %mul3A_177 : i32
      %add3A_179 = arith.addi %mul3A_2, %mul3A_178 : i32
      %mul3A_180 = arith.constant 64 : i32
      %mul3A_181 = arith.muli %add3A_176, %mul3A_180 : i32
      %dma_wait3A_182 = arith.constant 64 : i32
      %dma_wait3A_183 = arith.constant 0 : i32
      %dma_wait3A_184 = tpu.memref_slice %arg7[%dma_wait3A_182, %dma_wait3A_183] : memref<640x128xf32, #tpu.memory_space<vmem>> -> memref<64x128xf32, #tpu.memory_space<vmem>>
      %dma_wait3A_185 = arith.constant 0 : i32
      %dma_wait3A_186 = tpu.memref_slice %arg2[%add3A_179, %dma_wait3A_185] : memref<204800x128xf32, #tpu.memory_space<hbm>> -> memref<64x128xf32, #tpu.memory_space<hbm>>
      %dma_wait3A_187 = arith.constant 64 : i32
      %dma_wait3A_188 = arith.constant 0 : i32
      %dma_wait3A_189 = tpu.memref_slice %arg7[%dma_wait3A_187, %dma_wait3A_188] : memref<640x128xf32, #tpu.memory_space<vmem>> -> memref<64x128xf32, #tpu.memory_space<vmem>>
      %dma_wait3A_190 = arith.constant 0 : i32
      %dma_wait3A_191 = tpu.memref_slice %arg2[%add3A_179, %dma_wait3A_190] : memref<204800x128xf32, #tpu.memory_space<hbm>> -> memref<64x128xf32, #tpu.memory_space<hbm>>
      tpu.wait_dma2 semaphore(%arg10 : memref<!tpu.dma_semaphore, #tpu.memory_space<semaphore_mem>>) src(%dma_wait3A_191 : memref<64x128xf32, #tpu.memory_space<hbm>>) dst(%dma_wait3A_189 : memref<64x128xf32, #tpu.memory_space<vmem>>)
      %add3A_192 = arith.constant 0 : i32
      %add3A_193 = arith.addi %mul3A_181, %add3A_192 : i32
      %dma_start3A_194 = arith.constant 64 : i32
      %dma_start3A_195 = arith.constant 0 : i32
      %dma_start3A_196 = tpu.memref_slice %arg7[%dma_start3A_194, %dma_start3A_195] : memref<640x128xf32, #tpu.memory_space<vmem>> -> memref<64x128xf32, #tpu.memory_space<vmem>>
      %dma_start3A_197 = tpu.memref_slice %arg6[%add3A_193] : memref<6400xi32, #tpu.memory_space<vmem>> -> memref<64xi32, #tpu.memory_space<vmem>>
      %dma_start3A_198 = arith.constant 0 : i32
      %dma_start3A_199 = arith.constant 0 : i32
      %dma_start3A_200 = tpu.memref_slice %arg8[%dma_start3A_198, %dma_start3A_199] : memref<2048x128xf32, #tpu.memory_space<vmem_shared>> -> memref<2048x128xf32, #tpu.memory_space<vmem_shared>>
      tpu.enqueue_indirect_dma source(%dma_start3A_200 : memref<2048x128xf32, #tpu.memory_space<vmem_shared>>) target(%dma_start3A_196 : memref<64x128xf32, #tpu.memory_space<vmem>>) offsets(%dma_start3A_197 : memref<64xi32, #tpu.memory_space<vmem>>) semaphore(%arg20 : memref<!tpu.dma_semaphore, #tpu.memory_space<semaphore_mem>>) {add = true}
      %dma_wait3A_201 = arith.constant 64 : i32
      %dma_wait3A_202 = arith.constant 0 : i32
      %dma_wait3A_203 = tpu.memref_slice %arg7[%dma_wait3A_201, %dma_wait3A_202] : memref<640x128xf32, #tpu.memory_space<vmem>> -> memref<64x128xf32, #tpu.memory_space<vmem>>
      %dma_wait3A_204 = tpu.memref_slice %arg6[%add3A_193] : memref<6400xi32, #tpu.memory_space<vmem>> -> memref<64xi32, #tpu.memory_space<vmem>>
      %dma_wait3A_205 = arith.constant 0 : i32
      %dma_wait3A_206 = arith.constant 0 : i32
      %dma_wait3A_207 = tpu.memref_slice %arg8[%dma_wait3A_205, %dma_wait3A_206] : memref<2048x128xf32, #tpu.memory_space<vmem_shared>> -> memref<2048x128xf32, #tpu.memory_space<vmem_shared>>
      tpu.wait_indirect_dma semaphore(%arg20 : memref<!tpu.dma_semaphore, #tpu.memory_space<semaphore_mem>>) src(%dma_wait3A_207 : memref<2048x128xf32, #tpu.memory_space<vmem_shared>>) dst(%dma_wait3A_203 : memref<64x128xf32, #tpu.memory_space<vmem>>)
      %dma_start3A_208 = arith.constant 64 : i32
      %dma_start3A_209 = arith.constant 0 : i32
      %dma_start3A_210 = tpu.memref_slice %arg7[%dma_start3A_208, %dma_start3A_209] : memref<640x128xf32, #tpu.memory_space<vmem>> -> memref<64x128xf32, #tpu.memory_space<vmem>>
      %dma_start3A_211 = arith.constant 0 : i32
      %dma_start3A_212 = tpu.memref_slice %arg5[%add3A_179, %dma_start3A_211] : memref<204800x128xf32, #tpu.memory_space<hbm>> -> memref<64x128xf32, #tpu.memory_space<hbm>>
      %dma_start3A_213 = arith.constant 0 : i32
      %dma_start3A_214 = tpu.memref_slice %arg5[%add3A_179, %dma_start3A_213] : memref<204800x128xf32, #tpu.memory_space<hbm>> -> memref<64x128xf32, #tpu.memory_space<hbm>>
      %dma_start3A_215 = arith.constant 64 : i32
      %dma_start3A_216 = arith.constant 0 : i32
      %dma_start3A_217 = tpu.memref_slice %arg7[%dma_start3A_215, %dma_start3A_216] : memref<640x128xf32, #tpu.memory_space<vmem>> -> memref<64x128xf32, #tpu.memory_space<vmem>>
      tpu.enqueue_dma source(%dma_start3A_217 : memref<64x128xf32, #tpu.memory_space<vmem>>) target(%dma_start3A_214 : memref<64x128xf32, #tpu.memory_space<hbm>>) target_semaphore(%arg30 : memref<!tpu.dma_semaphore, #tpu.memory_space<semaphore_mem>>)
      %add3A_218 = arith.constant 2 : i32
      %add3A_219 = arith.addi %mul3A_132, %add3A_218 : i32
      %mul3A_220 = arith.constant 64 : i32
      %mul3A_221 = arith.muli %add3A_219, %mul3A_220 : i32
      %add3A_222 = arith.addi %mul3A_2, %mul3A_221 : i32
      %mul3A_223 = arith.constant 64 : i32
      %mul3A_224 = arith.muli %add3A_219, %mul3A_223 : i32
      %dma_wait3A_225 = arith.constant 128 : i32
      %dma_wait3A_226 = arith.constant 0 : i32
      %dma_wait3A_227 = tpu.memref_slice %arg7[%dma_wait3A_225, %dma_wait3A_226] : memref<640x128xf32, #tpu.memory_space<vmem>> -> memref<64x128xf32, #tpu.memory_space<vmem>>
      %dma_wait3A_228 = arith.constant 0 : i32
      %dma_wait3A_229 = tpu.memref_slice %arg2[%add3A_222, %dma_wait3A_228] : memref<204800x128xf32, #tpu.memory_space<hbm>> -> memref<64x128xf32, #tpu.memory_space<hbm>>
      %dma_wait3A_230 = arith.constant 128 : i32
      %dma_wait3A_231 = arith.constant 0 : i32
      %dma_wait3A_232 = tpu.memref_slice %arg7[%dma_wait3A_230, %dma_wait3A_231] : memref<640x128xf32, #tpu.memory_space<vmem>> -> memref<64x128xf32, #tpu.memory_space<vmem>>
      %dma_wait3A_233 = arith.constant 0 : i32
      %dma_wait3A_234 = tpu.memref_slice %arg2[%add3A_222, %dma_wait3A_233] : memref<204800x128xf32, #tpu.memory_space<hbm>> -> memref<64x128xf32, #tpu.memory_space<hbm>>
      tpu.wait_dma2 semaphore(%arg11 : memref<!tpu.dma_semaphore, #tpu.memory_space<semaphore_mem>>) src(%dma_wait3A_234 : memref<64x128xf32, #tpu.memory_space<hbm>>) dst(%dma_wait3A_232 : memref<64x128xf32, #tpu.memory_space<vmem>>)
      %add3A_235 = arith.constant 0 : i32
      %add3A_236 = arith.addi %mul3A_224, %add3A_235 : i32
      %dma_start3A_237 = arith.constant 128 : i32
      %dma_start3A_238 = arith.constant 0 : i32
      %dma_start3A_239 = tpu.memref_slice %arg7[%dma_start3A_237, %dma_start3A_238] : memref<640x128xf32, #tpu.memory_space<vmem>> -> memref<64x128xf32, #tpu.memory_space<vmem>>
      %dma_start3A_240 = tpu.memref_slice %arg6[%add3A_236] : memref<6400xi32, #tpu.memory_space<vmem>> -> memref<64xi32, #tpu.memory_space<vmem>>
      %dma_start3A_241 = arith.constant 0 : i32
      %dma_start3A_242 = arith.constant 0 : i32
      %dma_start3A_243 = tpu.memref_slice %arg8[%dma_start3A_241, %dma_start3A_242] : memref<2048x128xf32, #tpu.memory_space<vmem_shared>> -> memref<2048x128xf32, #tpu.memory_space<vmem_shared>>
      tpu.enqueue_indirect_dma source(%dma_start3A_243 : memref<2048x128xf32, #tpu.memory_space<vmem_shared>>) target(%dma_start3A_239 : memref<64x128xf32, #tpu.memory_space<vmem>>) offsets(%dma_start3A_240 : memref<64xi32, #tpu.memory_space<vmem>>) semaphore(%arg21 : memref<!tpu.dma_semaphore, #tpu.memory_space<semaphore_mem>>) {add = true}
      %dma_wait3A_244 = arith.constant 128 : i32
      %dma_wait3A_245 = arith.constant 0 : i32
      %dma_wait3A_246 = tpu.memref_slice %arg7[%dma_wait3A_244, %dma_wait3A_245] : memref<640x128xf32, #tpu.memory_space<vmem>> -> memref<64x128xf32, #tpu.memory_space<vmem>>
      %dma_wait3A_247 = tpu.memref_slice %arg6[%add3A_236] : memref<6400xi32, #tpu.memory_space<vmem>> -> memref<64xi32, #tpu.memory_space<vmem>>
      %dma_wait3A_248 = arith.constant 0 : i32
      %dma_wait3A_249 = arith.constant 0 : i32
      %dma_wait3A_250 = tpu.memref_slice %arg8[%dma_wait3A_248, %dma_wait3A_249] : memref<2048x128xf32, #tpu.memory_space<vmem_shared>> -> memref<2048x128xf32, #tpu.memory_space<vmem_shared>>
      tpu.wait_indirect_dma semaphore(%arg21 : memref<!tpu.dma_semaphore, #tpu.memory_space<semaphore_mem>>) src(%dma_wait3A_250 : memref<2048x128xf32, #tpu.memory_space<vmem_shared>>) dst(%dma_wait3A_246 : memref<64x128xf32, #tpu.memory_space<vmem>>)
      %dma_start3A_251 = arith.constant 128 : i32
      %dma_start3A_252 = arith.constant 0 : i32
      %dma_start3A_253 = tpu.memref_slice %arg7[%dma_start3A_251, %dma_start3A_252] : memref<640x128xf32, #tpu.memory_space<vmem>> -> memref<64x128xf32, #tpu.memory_space<vmem>>
      %dma_start3A_254 = arith.constant 0 : i32
      %dma_start3A_255 = tpu.memref_slice %arg5[%add3A_222, %dma_start3A_254] : memref<204800x128xf32, #tpu.memory_space<hbm>> -> memref<64x128xf32, #tpu.memory_space<hbm>>
      %dma_start3A_256 = arith.constant 0 : i32
      %dma_start3A_257 = tpu.memref_slice %arg5[%add3A_222, %dma_start3A_256] : memref<204800x128xf32, #tpu.memory_space<hbm>> -> memref<64x128xf32, #tpu.memory_space<hbm>>
      %dma_start3A_258 = arith.constant 128 : i32
      %dma_start3A_259 = arith.constant 0 : i32
      %dma_start3A_260 = tpu.memref_slice %arg7[%dma_start3A_258, %dma_start3A_259] : memref<640x128xf32, #tpu.memory_space<vmem>> -> memref<64x128xf32, #tpu.memory_space<vmem>>
      tpu.enqueue_dma source(%dma_start3A_260 : memref<64x128xf32, #tpu.memory_space<vmem>>) target(%dma_start3A_257 : memref<64x128xf32, #tpu.memory_space<hbm>>) target_semaphore(%arg31 : memref<!tpu.dma_semaphore, #tpu.memory_space<semaphore_mem>>)
      %add3A_261 = arith.constant 3 : i32
      %add3A_262 = arith.addi %mul3A_132, %add3A_261 : i32
      %mul3A_263 = arith.constant 64 : i32
      %mul3A_264 = arith.muli %add3A_262, %mul3A_263 : i32
      %add3A_265 = arith.addi %mul3A_2, %mul3A_264 : i32
      %mul3A_266 = arith.constant 64 : i32
      %mul3A_267 = arith.muli %add3A_262, %mul3A_266 : i32
      %dma_wait3A_268 = arith.constant 192 : i32
      %dma_wait3A_269 = arith.constant 0 : i32
      %dma_wait3A_270 = tpu.memref_slice %arg7[%dma_wait3A_268, %dma_wait3A_269] : memref<640x128xf32, #tpu.memory_space<vmem>> -> memref<64x128xf32, #tpu.memory_space<vmem>>
      %dma_wait3A_271 = arith.constant 0 : i32
      %dma_wait3A_272 = tpu.memref_slice %arg2[%add3A_265, %dma_wait3A_271] : memref<204800x128xf32, #tpu.memory_space<hbm>> -> memref<64x128xf32, #tpu.memory_space<hbm>>
      %dma_wait3A_273 = arith.constant 192 : i32
      %dma_wait3A_274 = arith.constant 0 : i32
      %dma_wait3A_275 = tpu.memref_slice %arg7[%dma_wait3A_273, %dma_wait3A_274] : memref<640x128xf32, #tpu.memory_space<vmem>> -> memref<64x128xf32, #tpu.memory_space<vmem>>
      %dma_wait3A_276 = arith.constant 0 : i32
      %dma_wait3A_277 = tpu.memref_slice %arg2[%add3A_265, %dma_wait3A_276] : memref<204800x128xf32, #tpu.memory_space<hbm>> -> memref<64x128xf32, #tpu.memory_space<hbm>>
      tpu.wait_dma2 semaphore(%arg12 : memref<!tpu.dma_semaphore, #tpu.memory_space<semaphore_mem>>) src(%dma_wait3A_277 : memref<64x128xf32, #tpu.memory_space<hbm>>) dst(%dma_wait3A_275 : memref<64x128xf32, #tpu.memory_space<vmem>>)
      %add3A_278 = arith.constant 0 : i32
      %add3A_279 = arith.addi %mul3A_267, %add3A_278 : i32
      %dma_start3A_280 = arith.constant 192 : i32
      %dma_start3A_281 = arith.constant 0 : i32
      %dma_start3A_282 = tpu.memref_slice %arg7[%dma_start3A_280, %dma_start3A_281] : memref<640x128xf32, #tpu.memory_space<vmem>> -> memref<64x128xf32, #tpu.memory_space<vmem>>
      %dma_start3A_283 = tpu.memref_slice %arg6[%add3A_279] : memref<6400xi32, #tpu.memory_space<vmem>> -> memref<64xi32, #tpu.memory_space<vmem>>
      %dma_start3A_284 = arith.constant 0 : i32
      %dma_start3A_285 = arith.constant 0 : i32
      %dma_start3A_286 = tpu.memref_slice %arg8[%dma_start3A_284, %dma_start3A_285] : memref<2048x128xf32, #tpu.memory_space<vmem_shared>> -> memref<2048x128xf32, #tpu.memory_space<vmem_shared>>
      tpu.enqueue_indirect_dma source(%dma_start3A_286 : memref<2048x128xf32, #tpu.memory_space<vmem_shared>>) target(%dma_start3A_282 : memref<64x128xf32, #tpu.memory_space<vmem>>) offsets(%dma_start3A_283 : memref<64xi32, #tpu.memory_space<vmem>>) semaphore(%arg22 : memref<!tpu.dma_semaphore, #tpu.memory_space<semaphore_mem>>) {add = true}
      %dma_wait3A_287 = arith.constant 192 : i32
      %dma_wait3A_288 = arith.constant 0 : i32
      %dma_wait3A_289 = tpu.memref_slice %arg7[%dma_wait3A_287, %dma_wait3A_288] : memref<640x128xf32, #tpu.memory_space<vmem>> -> memref<64x128xf32, #tpu.memory_space<vmem>>
      %dma_wait3A_290 = tpu.memref_slice %arg6[%add3A_279] : memref<6400xi32, #tpu.memory_space<vmem>> -> memref<64xi32, #tpu.memory_space<vmem>>
      %dma_wait3A_291 = arith.constant 0 : i32
      %dma_wait3A_292 = arith.constant 0 : i32
      %dma_wait3A_293 = tpu.memref_slice %arg8[%dma_wait3A_291, %dma_wait3A_292] : memref<2048x128xf32, #tpu.memory_space<vmem_shared>> -> memref<2048x128xf32, #tpu.memory_space<vmem_shared>>
      tpu.wait_indirect_dma semaphore(%arg22 : memref<!tpu.dma_semaphore, #tpu.memory_space<semaphore_mem>>) src(%dma_wait3A_293 : memref<2048x128xf32, #tpu.memory_space<vmem_shared>>) dst(%dma_wait3A_289 : memref<64x128xf32, #tpu.memory_space<vmem>>)
      %dma_start3A_294 = arith.constant 192 : i32
      %dma_start3A_295 = arith.constant 0 : i32
      %dma_start3A_296 = tpu.memref_slice %arg7[%dma_start3A_294, %dma_start3A_295] : memref<640x128xf32, #tpu.memory_space<vmem>> -> memref<64x128xf32, #tpu.memory_space<vmem>>
      %dma_start3A_297 = arith.constant 0 : i32
      %dma_start3A_298 = tpu.memref_slice %arg5[%add3A_265, %dma_start3A_297] : memref<204800x128xf32, #tpu.memory_space<hbm>> -> memref<64x128xf32, #tpu.memory_space<hbm>>
      %dma_start3A_299 = arith.constant 0 : i32
      %dma_start3A_300 = tpu.memref_slice %arg5[%add3A_265, %dma_start3A_299] : memref<204800x128xf32, #tpu.memory_space<hbm>> -> memref<64x128xf32, #tpu.memory_space<hbm>>
      %dma_start3A_301 = arith.constant 192 : i32
      %dma_start3A_302 = arith.constant 0 : i32
      %dma_start3A_303 = tpu.memref_slice %arg7[%dma_start3A_301, %dma_start3A_302] : memref<640x128xf32, #tpu.memory_space<vmem>> -> memref<64x128xf32, #tpu.memory_space<vmem>>
      tpu.enqueue_dma source(%dma_start3A_303 : memref<64x128xf32, #tpu.memory_space<vmem>>) target(%dma_start3A_300 : memref<64x128xf32, #tpu.memory_space<hbm>>) target_semaphore(%arg32 : memref<!tpu.dma_semaphore, #tpu.memory_space<semaphore_mem>>)
      %add3A_304 = arith.constant 4 : i32
      %add3A_305 = arith.addi %mul3A_132, %add3A_304 : i32
      %mul3A_306 = arith.constant 64 : i32
      %mul3A_307 = arith.muli %add3A_305, %mul3A_306 : i32
      %add3A_308 = arith.addi %mul3A_2, %mul3A_307 : i32
      %mul3A_309 = arith.constant 64 : i32
      %mul3A_310 = arith.muli %add3A_305, %mul3A_309 : i32
      %dma_wait3A_311 = arith.constant 256 : i32
      %dma_wait3A_312 = arith.constant 0 : i32
      %dma_wait3A_313 = tpu.memref_slice %arg7[%dma_wait3A_311, %dma_wait3A_312] : memref<640x128xf32, #tpu.memory_space<vmem>> -> memref<64x128xf32, #tpu.memory_space<vmem>>
      %dma_wait3A_314 = arith.constant 0 : i32
      %dma_wait3A_315 = tpu.memref_slice %arg2[%add3A_308, %dma_wait3A_314] : memref<204800x128xf32, #tpu.memory_space<hbm>> -> memref<64x128xf32, #tpu.memory_space<hbm>>
      %dma_wait3A_316 = arith.constant 256 : i32
      %dma_wait3A_317 = arith.constant 0 : i32
      %dma_wait3A_318 = tpu.memref_slice %arg7[%dma_wait3A_316, %dma_wait3A_317] : memref<640x128xf32, #tpu.memory_space<vmem>> -> memref<64x128xf32, #tpu.memory_space<vmem>>
      %dma_wait3A_319 = arith.constant 0 : i32
      %dma_wait3A_320 = tpu.memref_slice %arg2[%add3A_308, %dma_wait3A_319] : memref<204800x128xf32, #tpu.memory_space<hbm>> -> memref<64x128xf32, #tpu.memory_space<hbm>>
      tpu.wait_dma2 semaphore(%arg13 : memref<!tpu.dma_semaphore, #tpu.memory_space<semaphore_mem>>) src(%dma_wait3A_320 : memref<64x128xf32, #tpu.memory_space<hbm>>) dst(%dma_wait3A_318 : memref<64x128xf32, #tpu.memory_space<vmem>>)
      %add3A_321 = arith.constant 0 : i32
      %add3A_322 = arith.addi %mul3A_310, %add3A_321 : i32
      %dma_start3A_323 = arith.constant 256 : i32
      %dma_start3A_324 = arith.constant 0 : i32
      %dma_start3A_325 = tpu.memref_slice %arg7[%dma_start3A_323, %dma_start3A_324] : memref<640x128xf32, #tpu.memory_space<vmem>> -> memref<64x128xf32, #tpu.memory_space<vmem>>
      %dma_start3A_326 = tpu.memref_slice %arg6[%add3A_322] : memref<6400xi32, #tpu.memory_space<vmem>> -> memref<64xi32, #tpu.memory_space<vmem>>
      %dma_start3A_327 = arith.constant 0 : i32
      %dma_start3A_328 = arith.constant 0 : i32
      %dma_start3A_329 = tpu.memref_slice %arg8[%dma_start3A_327, %dma_start3A_328] : memref<2048x128xf32, #tpu.memory_space<vmem_shared>> -> memref<2048x128xf32, #tpu.memory_space<vmem_shared>>
      tpu.enqueue_indirect_dma source(%dma_start3A_329 : memref<2048x128xf32, #tpu.memory_space<vmem_shared>>) target(%dma_start3A_325 : memref<64x128xf32, #tpu.memory_space<vmem>>) offsets(%dma_start3A_326 : memref<64xi32, #tpu.memory_space<vmem>>) semaphore(%arg23 : memref<!tpu.dma_semaphore, #tpu.memory_space<semaphore_mem>>) {add = true}
      %dma_wait3A_330 = arith.constant 256 : i32
      %dma_wait3A_331 = arith.constant 0 : i32
      %dma_wait3A_332 = tpu.memref_slice %arg7[%dma_wait3A_330, %dma_wait3A_331] : memref<640x128xf32, #tpu.memory_space<vmem>> -> memref<64x128xf32, #tpu.memory_space<vmem>>
      %dma_wait3A_333 = tpu.memref_slice %arg6[%add3A_322] : memref<6400xi32, #tpu.memory_space<vmem>> -> memref<64xi32, #tpu.memory_space<vmem>>
      %dma_wait3A_334 = arith.constant 0 : i32
      %dma_wait3A_335 = arith.constant 0 : i32
      %dma_wait3A_336 = tpu.memref_slice %arg8[%dma_wait3A_334, %dma_wait3A_335] : memref<2048x128xf32, #tpu.memory_space<vmem_shared>> -> memref<2048x128xf32, #tpu.memory_space<vmem_shared>>
      tpu.wait_indirect_dma semaphore(%arg23 : memref<!tpu.dma_semaphore, #tpu.memory_space<semaphore_mem>>) src(%dma_wait3A_336 : memref<2048x128xf32, #tpu.memory_space<vmem_shared>>) dst(%dma_wait3A_332 : memref<64x128xf32, #tpu.memory_space<vmem>>)
      %dma_start3A_337 = arith.constant 256 : i32
      %dma_start3A_338 = arith.constant 0 : i32
      %dma_start3A_339 = tpu.memref_slice %arg7[%dma_start3A_337, %dma_start3A_338] : memref<640x128xf32, #tpu.memory_space<vmem>> -> memref<64x128xf32, #tpu.memory_space<vmem>>
      %dma_start3A_340 = arith.constant 0 : i32
      %dma_start3A_341 = tpu.memref_slice %arg5[%add3A_308, %dma_start3A_340] : memref<204800x128xf32, #tpu.memory_space<hbm>> -> memref<64x128xf32, #tpu.memory_space<hbm>>
      %dma_start3A_342 = arith.constant 0 : i32
      %dma_start3A_343 = tpu.memref_slice %arg5[%add3A_308, %dma_start3A_342] : memref<204800x128xf32, #tpu.memory_space<hbm>> -> memref<64x128xf32, #tpu.memory_space<hbm>>
      %dma_start3A_344 = arith.constant 256 : i32
      %dma_start3A_345 = arith.constant 0 : i32
      %dma_start3A_346 = tpu.memref_slice %arg7[%dma_start3A_344, %dma_start3A_345] : memref<640x128xf32, #tpu.memory_space<vmem>> -> memref<64x128xf32, #tpu.memory_space<vmem>>
      tpu.enqueue_dma source(%dma_start3A_346 : memref<64x128xf32, #tpu.memory_space<vmem>>) target(%dma_start3A_343 : memref<64x128xf32, #tpu.memory_space<hbm>>) target_semaphore(%arg33 : memref<!tpu.dma_semaphore, #tpu.memory_space<semaphore_mem>>)
      %add3A_347 = arith.constant 5 : i32
      %add3A_348 = arith.addi %mul3A_132, %add3A_347 : i32
      %mul3A_349 = arith.constant 64 : i32
      %mul3A_350 = arith.muli %add3A_348, %mul3A_349 : i32
      %add3A_351 = arith.addi %mul3A_2, %mul3A_350 : i32
      %mul3A_352 = arith.constant 64 : i32
      %mul3A_353 = arith.muli %add3A_348, %mul3A_352 : i32
      %dma_wait3A_354 = arith.constant 320 : i32
      %dma_wait3A_355 = arith.constant 0 : i32
      %dma_wait3A_356 = tpu.memref_slice %arg7[%dma_wait3A_354, %dma_wait3A_355] : memref<640x128xf32, #tpu.memory_space<vmem>> -> memref<64x128xf32, #tpu.memory_space<vmem>>
      %dma_wait3A_357 = arith.constant 0 : i32
      %dma_wait3A_358 = tpu.memref_slice %arg2[%add3A_351, %dma_wait3A_357] : memref<204800x128xf32, #tpu.memory_space<hbm>> -> memref<64x128xf32, #tpu.memory_space<hbm>>
      %dma_wait3A_359 = arith.constant 320 : i32
      %dma_wait3A_360 = arith.constant 0 : i32
      %dma_wait3A_361 = tpu.memref_slice %arg7[%dma_wait3A_359, %dma_wait3A_360] : memref<640x128xf32, #tpu.memory_space<vmem>> -> memref<64x128xf32, #tpu.memory_space<vmem>>
      %dma_wait3A_362 = arith.constant 0 : i32
      %dma_wait3A_363 = tpu.memref_slice %arg2[%add3A_351, %dma_wait3A_362] : memref<204800x128xf32, #tpu.memory_space<hbm>> -> memref<64x128xf32, #tpu.memory_space<hbm>>
      tpu.wait_dma2 semaphore(%arg14 : memref<!tpu.dma_semaphore, #tpu.memory_space<semaphore_mem>>) src(%dma_wait3A_363 : memref<64x128xf32, #tpu.memory_space<hbm>>) dst(%dma_wait3A_361 : memref<64x128xf32, #tpu.memory_space<vmem>>)
      %add3A_364 = arith.constant 0 : i32
      %add3A_365 = arith.addi %mul3A_353, %add3A_364 : i32
      %dma_start3A_366 = arith.constant 320 : i32
      %dma_start3A_367 = arith.constant 0 : i32
      %dma_start3A_368 = tpu.memref_slice %arg7[%dma_start3A_366, %dma_start3A_367] : memref<640x128xf32, #tpu.memory_space<vmem>> -> memref<64x128xf32, #tpu.memory_space<vmem>>
      %dma_start3A_369 = tpu.memref_slice %arg6[%add3A_365] : memref<6400xi32, #tpu.memory_space<vmem>> -> memref<64xi32, #tpu.memory_space<vmem>>
      %dma_start3A_370 = arith.constant 0 : i32
      %dma_start3A_371 = arith.constant 0 : i32
      %dma_start3A_372 = tpu.memref_slice %arg8[%dma_start3A_370, %dma_start3A_371] : memref<2048x128xf32, #tpu.memory_space<vmem_shared>> -> memref<2048x128xf32, #tpu.memory_space<vmem_shared>>
      tpu.enqueue_indirect_dma source(%dma_start3A_372 : memref<2048x128xf32, #tpu.memory_space<vmem_shared>>) target(%dma_start3A_368 : memref<64x128xf32, #tpu.memory_space<vmem>>) offsets(%dma_start3A_369 : memref<64xi32, #tpu.memory_space<vmem>>) semaphore(%arg24 : memref<!tpu.dma_semaphore, #tpu.memory_space<semaphore_mem>>) {add = true}
      %dma_wait3A_373 = arith.constant 320 : i32
      %dma_wait3A_374 = arith.constant 0 : i32
      %dma_wait3A_375 = tpu.memref_slice %arg7[%dma_wait3A_373, %dma_wait3A_374] : memref<640x128xf32, #tpu.memory_space<vmem>> -> memref<64x128xf32, #tpu.memory_space<vmem>>
      %dma_wait3A_376 = tpu.memref_slice %arg6[%add3A_365] : memref<6400xi32, #tpu.memory_space<vmem>> -> memref<64xi32, #tpu.memory_space<vmem>>
      %dma_wait3A_377 = arith.constant 0 : i32
      %dma_wait3A_378 = arith.constant 0 : i32
      %dma_wait3A_379 = tpu.memref_slice %arg8[%dma_wait3A_377, %dma_wait3A_378] : memref<2048x128xf32, #tpu.memory_space<vmem_shared>> -> memref<2048x128xf32, #tpu.memory_space<vmem_shared>>
      tpu.wait_indirect_dma semaphore(%arg24 : memref<!tpu.dma_semaphore, #tpu.memory_space<semaphore_mem>>) src(%dma_wait3A_379 : memref<2048x128xf32, #tpu.memory_space<vmem_shared>>) dst(%dma_wait3A_375 : memref<64x128xf32, #tpu.memory_space<vmem>>)
      %dma_start3A_380 = arith.constant 320 : i32
      %dma_start3A_381 = arith.constant 0 : i32
      %dma_start3A_382 = tpu.memref_slice %arg7[%dma_start3A_380, %dma_start3A_381] : memref<640x128xf32, #tpu.memory_space<vmem>> -> memref<64x128xf32, #tpu.memory_space<vmem>>
      %dma_start3A_383 = arith.constant 0 : i32
      %dma_start3A_384 = tpu.memref_slice %arg5[%add3A_351, %dma_start3A_383] : memref<204800x128xf32, #tpu.memory_space<hbm>> -> memref<64x128xf32, #tpu.memory_space<hbm>>
      %dma_start3A_385 = arith.constant 0 : i32
      %dma_start3A_386 = tpu.memref_slice %arg5[%add3A_351, %dma_start3A_385] : memref<204800x128xf32, #tpu.memory_space<hbm>> -> memref<64x128xf32, #tpu.memory_space<hbm>>
      %dma_start3A_387 = arith.constant 320 : i32
      %dma_start3A_388 = arith.constant 0 : i32
      %dma_start3A_389 = tpu.memref_slice %arg7[%dma_start3A_387, %dma_start3A_388] : memref<640x128xf32, #tpu.memory_space<vmem>> -> memref<64x128xf32, #tpu.memory_space<vmem>>
      tpu.enqueue_dma source(%dma_start3A_389 : memref<64x128xf32, #tpu.memory_space<vmem>>) target(%dma_start3A_386 : memref<64x128xf32, #tpu.memory_space<hbm>>) target_semaphore(%arg34 : memref<!tpu.dma_semaphore, #tpu.memory_space<semaphore_mem>>)
      %add3A_390 = arith.constant 6 : i32
      %add3A_391 = arith.addi %mul3A_132, %add3A_390 : i32
      %mul3A_392 = arith.constant 64 : i32
      %mul3A_393 = arith.muli %add3A_391, %mul3A_392 : i32
      %add3A_394 = arith.addi %mul3A_2, %mul3A_393 : i32
      %mul3A_395 = arith.constant 64 : i32
      %mul3A_396 = arith.muli %add3A_391, %mul3A_395 : i32
      %dma_wait3A_397 = arith.constant 384 : i32
      %dma_wait3A_398 = arith.constant 0 : i32
      %dma_wait3A_399 = tpu.memref_slice %arg7[%dma_wait3A_397, %dma_wait3A_398] : memref<640x128xf32, #tpu.memory_space<vmem>> -> memref<64x128xf32, #tpu.memory_space<vmem>>
      %dma_wait3A_400 = arith.constant 0 : i32
      %dma_wait3A_401 = tpu.memref_slice %arg2[%add3A_394, %dma_wait3A_400] : memref<204800x128xf32, #tpu.memory_space<hbm>> -> memref<64x128xf32, #tpu.memory_space<hbm>>
      %dma_wait3A_402 = arith.constant 384 : i32
      %dma_wait3A_403 = arith.constant 0 : i32
      %dma_wait3A_404 = tpu.memref_slice %arg7[%dma_wait3A_402, %dma_wait3A_403] : memref<640x128xf32, #tpu.memory_space<vmem>> -> memref<64x128xf32, #tpu.memory_space<vmem>>
      %dma_wait3A_405 = arith.constant 0 : i32
      %dma_wait3A_406 = tpu.memref_slice %arg2[%add3A_394, %dma_wait3A_405] : memref<204800x128xf32, #tpu.memory_space<hbm>> -> memref<64x128xf32, #tpu.memory_space<hbm>>
      tpu.wait_dma2 semaphore(%arg15 : memref<!tpu.dma_semaphore, #tpu.memory_space<semaphore_mem>>) src(%dma_wait3A_406 : memref<64x128xf32, #tpu.memory_space<hbm>>) dst(%dma_wait3A_404 : memref<64x128xf32, #tpu.memory_space<vmem>>)
      %add3A_407 = arith.constant 0 : i32
      %add3A_408 = arith.addi %mul3A_396, %add3A_407 : i32
      %dma_start3A_409 = arith.constant 384 : i32
      %dma_start3A_410 = arith.constant 0 : i32
      %dma_start3A_411 = tpu.memref_slice %arg7[%dma_start3A_409, %dma_start3A_410] : memref<640x128xf32, #tpu.memory_space<vmem>> -> memref<64x128xf32, #tpu.memory_space<vmem>>
      %dma_start3A_412 = tpu.memref_slice %arg6[%add3A_408] : memref<6400xi32, #tpu.memory_space<vmem>> -> memref<64xi32, #tpu.memory_space<vmem>>
      %dma_start3A_413 = arith.constant 0 : i32
      %dma_start3A_414 = arith.constant 0 : i32
      %dma_start3A_415 = tpu.memref_slice %arg8[%dma_start3A_413, %dma_start3A_414] : memref<2048x128xf32, #tpu.memory_space<vmem_shared>> -> memref<2048x128xf32, #tpu.memory_space<vmem_shared>>
      tpu.enqueue_indirect_dma source(%dma_start3A_415 : memref<2048x128xf32, #tpu.memory_space<vmem_shared>>) target(%dma_start3A_411 : memref<64x128xf32, #tpu.memory_space<vmem>>) offsets(%dma_start3A_412 : memref<64xi32, #tpu.memory_space<vmem>>) semaphore(%arg25 : memref<!tpu.dma_semaphore, #tpu.memory_space<semaphore_mem>>) {add = true}
      %dma_wait3A_416 = arith.constant 384 : i32
      %dma_wait3A_417 = arith.constant 0 : i32
      %dma_wait3A_418 = tpu.memref_slice %arg7[%dma_wait3A_416, %dma_wait3A_417] : memref<640x128xf32, #tpu.memory_space<vmem>> -> memref<64x128xf32, #tpu.memory_space<vmem>>
      %dma_wait3A_419 = tpu.memref_slice %arg6[%add3A_408] : memref<6400xi32, #tpu.memory_space<vmem>> -> memref<64xi32, #tpu.memory_space<vmem>>
      %dma_wait3A_420 = arith.constant 0 : i32
      %dma_wait3A_421 = arith.constant 0 : i32
      %dma_wait3A_422 = tpu.memref_slice %arg8[%dma_wait3A_420, %dma_wait3A_421] : memref<2048x128xf32, #tpu.memory_space<vmem_shared>> -> memref<2048x128xf32, #tpu.memory_space<vmem_shared>>
      tpu.wait_indirect_dma semaphore(%arg25 : memref<!tpu.dma_semaphore, #tpu.memory_space<semaphore_mem>>) src(%dma_wait3A_422 : memref<2048x128xf32, #tpu.memory_space<vmem_shared>>) dst(%dma_wait3A_418 : memref<64x128xf32, #tpu.memory_space<vmem>>)
      %dma_start3A_423 = arith.constant 384 : i32
      %dma_start3A_424 = arith.constant 0 : i32
      %dma_start3A_425 = tpu.memref_slice %arg7[%dma_start3A_423, %dma_start3A_424] : memref<640x128xf32, #tpu.memory_space<vmem>> -> memref<64x128xf32, #tpu.memory_space<vmem>>
      %dma_start3A_426 = arith.constant 0 : i32
      %dma_start3A_427 = tpu.memref_slice %arg5[%add3A_394, %dma_start3A_426] : memref<204800x128xf32, #tpu.memory_space<hbm>> -> memref<64x128xf32, #tpu.memory_space<hbm>>
      %dma_start3A_428 = arith.constant 0 : i32
      %dma_start3A_429 = tpu.memref_slice %arg5[%add3A_394, %dma_start3A_428] : memref<204800x128xf32, #tpu.memory_space<hbm>> -> memref<64x128xf32, #tpu.memory_space<hbm>>
      %dma_start3A_430 = arith.constant 384 : i32
      %dma_start3A_431 = arith.constant 0 : i32
      %dma_start3A_432 = tpu.memref_slice %arg7[%dma_start3A_430, %dma_start3A_431] : memref<640x128xf32, #tpu.memory_space<vmem>> -> memref<64x128xf32, #tpu.memory_space<vmem>>
      tpu.enqueue_dma source(%dma_start3A_432 : memref<64x128xf32, #tpu.memory_space<vmem>>) target(%dma_start3A_429 : memref<64x128xf32, #tpu.memory_space<hbm>>) target_semaphore(%arg35 : memref<!tpu.dma_semaphore, #tpu.memory_space<semaphore_mem>>)
      %add3A_433 = arith.constant 7 : i32
      %add3A_434 = arith.addi %mul3A_132, %add3A_433 : i32
      %mul3A_435 = arith.constant 64 : i32
      %mul3A_436 = arith.muli %add3A_434, %mul3A_435 : i32
      %add3A_437 = arith.addi %mul3A_2, %mul3A_436 : i32
      %mul3A_438 = arith.constant 64 : i32
      %mul3A_439 = arith.muli %add3A_434, %mul3A_438 : i32
      %dma_wait3A_440 = arith.constant 448 : i32
      %dma_wait3A_441 = arith.constant 0 : i32
      %dma_wait3A_442 = tpu.memref_slice %arg7[%dma_wait3A_440, %dma_wait3A_441] : memref<640x128xf32, #tpu.memory_space<vmem>> -> memref<64x128xf32, #tpu.memory_space<vmem>>
      %dma_wait3A_443 = arith.constant 0 : i32
      %dma_wait3A_444 = tpu.memref_slice %arg2[%add3A_437, %dma_wait3A_443] : memref<204800x128xf32, #tpu.memory_space<hbm>> -> memref<64x128xf32, #tpu.memory_space<hbm>>
      %dma_wait3A_445 = arith.constant 448 : i32
      %dma_wait3A_446 = arith.constant 0 : i32
      %dma_wait3A_447 = tpu.memref_slice %arg7[%dma_wait3A_445, %dma_wait3A_446] : memref<640x128xf32, #tpu.memory_space<vmem>> -> memref<64x128xf32, #tpu.memory_space<vmem>>
      %dma_wait3A_448 = arith.constant 0 : i32
      %dma_wait3A_449 = tpu.memref_slice %arg2[%add3A_437, %dma_wait3A_448] : memref<204800x128xf32, #tpu.memory_space<hbm>> -> memref<64x128xf32, #tpu.memory_space<hbm>>
      tpu.wait_dma2 semaphore(%arg16 : memref<!tpu.dma_semaphore, #tpu.memory_space<semaphore_mem>>) src(%dma_wait3A_449 : memref<64x128xf32, #tpu.memory_space<hbm>>) dst(%dma_wait3A_447 : memref<64x128xf32, #tpu.memory_space<vmem>>)
      %add3A_450 = arith.constant 0 : i32
      %add3A_451 = arith.addi %mul3A_439, %add3A_450 : i32
      %dma_start3A_452 = arith.constant 448 : i32
      %dma_start3A_453 = arith.constant 0 : i32
      %dma_start3A_454 = tpu.memref_slice %arg7[%dma_start3A_452, %dma_start3A_453] : memref<640x128xf32, #tpu.memory_space<vmem>> -> memref<64x128xf32, #tpu.memory_space<vmem>>
      %dma_start3A_455 = tpu.memref_slice %arg6[%add3A_451] : memref<6400xi32, #tpu.memory_space<vmem>> -> memref<64xi32, #tpu.memory_space<vmem>>
      %dma_start3A_456 = arith.constant 0 : i32
      %dma_start3A_457 = arith.constant 0 : i32
      %dma_start3A_458 = tpu.memref_slice %arg8[%dma_start3A_456, %dma_start3A_457] : memref<2048x128xf32, #tpu.memory_space<vmem_shared>> -> memref<2048x128xf32, #tpu.memory_space<vmem_shared>>
      tpu.enqueue_indirect_dma source(%dma_start3A_458 : memref<2048x128xf32, #tpu.memory_space<vmem_shared>>) target(%dma_start3A_454 : memref<64x128xf32, #tpu.memory_space<vmem>>) offsets(%dma_start3A_455 : memref<64xi32, #tpu.memory_space<vmem>>) semaphore(%arg26 : memref<!tpu.dma_semaphore, #tpu.memory_space<semaphore_mem>>) {add = true}
      %dma_wait3A_459 = arith.constant 448 : i32
      %dma_wait3A_460 = arith.constant 0 : i32
      %dma_wait3A_461 = tpu.memref_slice %arg7[%dma_wait3A_459, %dma_wait3A_460] : memref<640x128xf32, #tpu.memory_space<vmem>> -> memref<64x128xf32, #tpu.memory_space<vmem>>
      %dma_wait3A_462 = tpu.memref_slice %arg6[%add3A_451] : memref<6400xi32, #tpu.memory_space<vmem>> -> memref<64xi32, #tpu.memory_space<vmem>>
      %dma_wait3A_463 = arith.constant 0 : i32
      %dma_wait3A_464 = arith.constant 0 : i32
      %dma_wait3A_465 = tpu.memref_slice %arg8[%dma_wait3A_463, %dma_wait3A_464] : memref<2048x128xf32, #tpu.memory_space<vmem_shared>> -> memref<2048x128xf32, #tpu.memory_space<vmem_shared>>
      tpu.wait_indirect_dma semaphore(%arg26 : memref<!tpu.dma_semaphore, #tpu.memory_space<semaphore_mem>>) src(%dma_wait3A_465 : memref<2048x128xf32, #tpu.memory_space<vmem_shared>>) dst(%dma_wait3A_461 : memref<64x128xf32, #tpu.memory_space<vmem>>)
      %dma_start3A_466 = arith.constant 448 : i32
      %dma_start3A_467 = arith.constant 0 : i32
      %dma_start3A_468 = tpu.memref_slice %arg7[%dma_start3A_466, %dma_start3A_467] : memref<640x128xf32, #tpu.memory_space<vmem>> -> memref<64x128xf32, #tpu.memory_space<vmem>>
      %dma_start3A_469 = arith.constant 0 : i32
      %dma_start3A_470 = tpu.memref_slice %arg5[%add3A_437, %dma_start3A_469] : memref<204800x128xf32, #tpu.memory_space<hbm>> -> memref<64x128xf32, #tpu.memory_space<hbm>>
      %dma_start3A_471 = arith.constant 0 : i32
      %dma_start3A_472 = tpu.memref_slice %arg5[%add3A_437, %dma_start3A_471] : memref<204800x128xf32, #tpu.memory_space<hbm>> -> memref<64x128xf32, #tpu.memory_space<hbm>>
      %dma_start3A_473 = arith.constant 448 : i32
      %dma_start3A_474 = arith.constant 0 : i32
      %dma_start3A_475 = tpu.memref_slice %arg7[%dma_start3A_473, %dma_start3A_474] : memref<640x128xf32, #tpu.memory_space<vmem>> -> memref<64x128xf32, #tpu.memory_space<vmem>>
      tpu.enqueue_dma source(%dma_start3A_475 : memref<64x128xf32, #tpu.memory_space<vmem>>) target(%dma_start3A_472 : memref<64x128xf32, #tpu.memory_space<hbm>>) target_semaphore(%arg36 : memref<!tpu.dma_semaphore, #tpu.memory_space<semaphore_mem>>)
      %add3A_476 = arith.constant 8 : i32
      %add3A_477 = arith.addi %mul3A_132, %add3A_476 : i32
      %mul3A_478 = arith.constant 64 : i32
      %mul3A_479 = arith.muli %add3A_477, %mul3A_478 : i32
      %add3A_480 = arith.addi %mul3A_2, %mul3A_479 : i32
      %mul3A_481 = arith.constant 64 : i32
      %mul3A_482 = arith.muli %add3A_477, %mul3A_481 : i32
      %dma_wait3A_483 = arith.constant 512 : i32
      %dma_wait3A_484 = arith.constant 0 : i32
      %dma_wait3A_485 = tpu.memref_slice %arg7[%dma_wait3A_483, %dma_wait3A_484] : memref<640x128xf32, #tpu.memory_space<vmem>> -> memref<64x128xf32, #tpu.memory_space<vmem>>
      %dma_wait3A_486 = arith.constant 0 : i32
      %dma_wait3A_487 = tpu.memref_slice %arg2[%add3A_480, %dma_wait3A_486] : memref<204800x128xf32, #tpu.memory_space<hbm>> -> memref<64x128xf32, #tpu.memory_space<hbm>>
      %dma_wait3A_488 = arith.constant 512 : i32
      %dma_wait3A_489 = arith.constant 0 : i32
      %dma_wait3A_490 = tpu.memref_slice %arg7[%dma_wait3A_488, %dma_wait3A_489] : memref<640x128xf32, #tpu.memory_space<vmem>> -> memref<64x128xf32, #tpu.memory_space<vmem>>
      %dma_wait3A_491 = arith.constant 0 : i32
      %dma_wait3A_492 = tpu.memref_slice %arg2[%add3A_480, %dma_wait3A_491] : memref<204800x128xf32, #tpu.memory_space<hbm>> -> memref<64x128xf32, #tpu.memory_space<hbm>>
      tpu.wait_dma2 semaphore(%arg17 : memref<!tpu.dma_semaphore, #tpu.memory_space<semaphore_mem>>) src(%dma_wait3A_492 : memref<64x128xf32, #tpu.memory_space<hbm>>) dst(%dma_wait3A_490 : memref<64x128xf32, #tpu.memory_space<vmem>>)
      %add3A_493 = arith.constant 0 : i32
      %add3A_494 = arith.addi %mul3A_482, %add3A_493 : i32
      %dma_start3A_495 = arith.constant 512 : i32
      %dma_start3A_496 = arith.constant 0 : i32
      %dma_start3A_497 = tpu.memref_slice %arg7[%dma_start3A_495, %dma_start3A_496] : memref<640x128xf32, #tpu.memory_space<vmem>> -> memref<64x128xf32, #tpu.memory_space<vmem>>
      %dma_start3A_498 = tpu.memref_slice %arg6[%add3A_494] : memref<6400xi32, #tpu.memory_space<vmem>> -> memref<64xi32, #tpu.memory_space<vmem>>
      %dma_start3A_499 = arith.constant 0 : i32
      %dma_start3A_500 = arith.constant 0 : i32
      %dma_start3A_501 = tpu.memref_slice %arg8[%dma_start3A_499, %dma_start3A_500] : memref<2048x128xf32, #tpu.memory_space<vmem_shared>> -> memref<2048x128xf32, #tpu.memory_space<vmem_shared>>
      tpu.enqueue_indirect_dma source(%dma_start3A_501 : memref<2048x128xf32, #tpu.memory_space<vmem_shared>>) target(%dma_start3A_497 : memref<64x128xf32, #tpu.memory_space<vmem>>) offsets(%dma_start3A_498 : memref<64xi32, #tpu.memory_space<vmem>>) semaphore(%arg27 : memref<!tpu.dma_semaphore, #tpu.memory_space<semaphore_mem>>) {add = true}
      %dma_wait3A_502 = arith.constant 512 : i32
      %dma_wait3A_503 = arith.constant 0 : i32
      %dma_wait3A_504 = tpu.memref_slice %arg7[%dma_wait3A_502, %dma_wait3A_503] : memref<640x128xf32, #tpu.memory_space<vmem>> -> memref<64x128xf32, #tpu.memory_space<vmem>>
      %dma_wait3A_505 = tpu.memref_slice %arg6[%add3A_494] : memref<6400xi32, #tpu.memory_space<vmem>> -> memref<64xi32, #tpu.memory_space<vmem>>
      %dma_wait3A_506 = arith.constant 0 : i32
      %dma_wait3A_507 = arith.constant 0 : i32
      %dma_wait3A_508 = tpu.memref_slice %arg8[%dma_wait3A_506, %dma_wait3A_507] : memref<2048x128xf32, #tpu.memory_space<vmem_shared>> -> memref<2048x128xf32, #tpu.memory_space<vmem_shared>>
      tpu.wait_indirect_dma semaphore(%arg27 : memref<!tpu.dma_semaphore, #tpu.memory_space<semaphore_mem>>) src(%dma_wait3A_508 : memref<2048x128xf32, #tpu.memory_space<vmem_shared>>) dst(%dma_wait3A_504 : memref<64x128xf32, #tpu.memory_space<vmem>>)
      %dma_start3A_509 = arith.constant 512 : i32
      %dma_start3A_510 = arith.constant 0 : i32
      %dma_start3A_511 = tpu.memref_slice %arg7[%dma_start3A_509, %dma_start3A_510] : memref<640x128xf32, #tpu.memory_space<vmem>> -> memref<64x128xf32, #tpu.memory_space<vmem>>
      %dma_start3A_512 = arith.constant 0 : i32
      %dma_start3A_513 = tpu.memref_slice %arg5[%add3A_480, %dma_start3A_512] : memref<204800x128xf32, #tpu.memory_space<hbm>> -> memref<64x128xf32, #tpu.memory_space<hbm>>
      %dma_start3A_514 = arith.constant 0 : i32
      %dma_start3A_515 = tpu.memref_slice %arg5[%add3A_480, %dma_start3A_514] : memref<204800x128xf32, #tpu.memory_space<hbm>> -> memref<64x128xf32, #tpu.memory_space<hbm>>
      %dma_start3A_516 = arith.constant 512 : i32
      %dma_start3A_517 = arith.constant 0 : i32
      %dma_start3A_518 = tpu.memref_slice %arg7[%dma_start3A_516, %dma_start3A_517] : memref<640x128xf32, #tpu.memory_space<vmem>> -> memref<64x128xf32, #tpu.memory_space<vmem>>
      tpu.enqueue_dma source(%dma_start3A_518 : memref<64x128xf32, #tpu.memory_space<vmem>>) target(%dma_start3A_515 : memref<64x128xf32, #tpu.memory_space<hbm>>) target_semaphore(%arg37 : memref<!tpu.dma_semaphore, #tpu.memory_space<semaphore_mem>>)
      %add3A_519 = arith.constant 9 : i32
      %add3A_520 = arith.addi %mul3A_132, %add3A_519 : i32
      %mul3A_521 = arith.constant 64 : i32
      %mul3A_522 = arith.muli %add3A_520, %mul3A_521 : i32
      %add3A_523 = arith.addi %mul3A_2, %mul3A_522 : i32
      %mul3A_524 = arith.constant 64 : i32
      %mul3A_525 = arith.muli %add3A_520, %mul3A_524 : i32
      %dma_wait3A_526 = arith.constant 576 : i32
      %dma_wait3A_527 = arith.constant 0 : i32
      %dma_wait3A_528 = tpu.memref_slice %arg7[%dma_wait3A_526, %dma_wait3A_527] : memref<640x128xf32, #tpu.memory_space<vmem>> -> memref<64x128xf32, #tpu.memory_space<vmem>>
      %dma_wait3A_529 = arith.constant 0 : i32
      %dma_wait3A_530 = tpu.memref_slice %arg2[%add3A_523, %dma_wait3A_529] : memref<204800x128xf32, #tpu.memory_space<hbm>> -> memref<64x128xf32, #tpu.memory_space<hbm>>
      %dma_wait3A_531 = arith.constant 576 : i32
      %dma_wait3A_532 = arith.constant 0 : i32
      %dma_wait3A_533 = tpu.memref_slice %arg7[%dma_wait3A_531, %dma_wait3A_532] : memref<640x128xf32, #tpu.memory_space<vmem>> -> memref<64x128xf32, #tpu.memory_space<vmem>>
      %dma_wait3A_534 = arith.constant 0 : i32
      %dma_wait3A_535 = tpu.memref_slice %arg2[%add3A_523, %dma_wait3A_534] : memref<204800x128xf32, #tpu.memory_space<hbm>> -> memref<64x128xf32, #tpu.memory_space<hbm>>
      tpu.wait_dma2 semaphore(%arg18 : memref<!tpu.dma_semaphore, #tpu.memory_space<semaphore_mem>>) src(%dma_wait3A_535 : memref<64x128xf32, #tpu.memory_space<hbm>>) dst(%dma_wait3A_533 : memref<64x128xf32, #tpu.memory_space<vmem>>)
      %add3A_536 = arith.constant 0 : i32
      %add3A_537 = arith.addi %mul3A_525, %add3A_536 : i32
      %dma_start3A_538 = arith.constant 576 : i32
      %dma_start3A_539 = arith.constant 0 : i32
      %dma_start3A_540 = tpu.memref_slice %arg7[%dma_start3A_538, %dma_start3A_539] : memref<640x128xf32, #tpu.memory_space<vmem>> -> memref<64x128xf32, #tpu.memory_space<vmem>>
      %dma_start3A_541 = tpu.memref_slice %arg6[%add3A_537] : memref<6400xi32, #tpu.memory_space<vmem>> -> memref<64xi32, #tpu.memory_space<vmem>>
      %dma_start3A_542 = arith.constant 0 : i32
      %dma_start3A_543 = arith.constant 0 : i32
      %dma_start3A_544 = tpu.memref_slice %arg8[%dma_start3A_542, %dma_start3A_543] : memref<2048x128xf32, #tpu.memory_space<vmem_shared>> -> memref<2048x128xf32, #tpu.memory_space<vmem_shared>>
      tpu.enqueue_indirect_dma source(%dma_start3A_544 : memref<2048x128xf32, #tpu.memory_space<vmem_shared>>) target(%dma_start3A_540 : memref<64x128xf32, #tpu.memory_space<vmem>>) offsets(%dma_start3A_541 : memref<64xi32, #tpu.memory_space<vmem>>) semaphore(%arg28 : memref<!tpu.dma_semaphore, #tpu.memory_space<semaphore_mem>>) {add = true}
      %dma_wait3A_545 = arith.constant 576 : i32
      %dma_wait3A_546 = arith.constant 0 : i32
      %dma_wait3A_547 = tpu.memref_slice %arg7[%dma_wait3A_545, %dma_wait3A_546] : memref<640x128xf32, #tpu.memory_space<vmem>> -> memref<64x128xf32, #tpu.memory_space<vmem>>
      %dma_wait3A_548 = tpu.memref_slice %arg6[%add3A_537] : memref<6400xi32, #tpu.memory_space<vmem>> -> memref<64xi32, #tpu.memory_space<vmem>>
      %dma_wait3A_549 = arith.constant 0 : i32
      %dma_wait3A_550 = arith.constant 0 : i32
      %dma_wait3A_551 = tpu.memref_slice %arg8[%dma_wait3A_549, %dma_wait3A_550] : memref<2048x128xf32, #tpu.memory_space<vmem_shared>> -> memref<2048x128xf32, #tpu.memory_space<vmem_shared>>
      tpu.wait_indirect_dma semaphore(%arg28 : memref<!tpu.dma_semaphore, #tpu.memory_space<semaphore_mem>>) src(%dma_wait3A_551 : memref<2048x128xf32, #tpu.memory_space<vmem_shared>>) dst(%dma_wait3A_547 : memref<64x128xf32, #tpu.memory_space<vmem>>)
      %dma_start3A_552 = arith.constant 576 : i32
      %dma_start3A_553 = arith.constant 0 : i32
      %dma_start3A_554 = tpu.memref_slice %arg7[%dma_start3A_552, %dma_start3A_553] : memref<640x128xf32, #tpu.memory_space<vmem>> -> memref<64x128xf32, #tpu.memory_space<vmem>>
      %dma_start3A_555 = arith.constant 0 : i32
      %dma_start3A_556 = tpu.memref_slice %arg5[%add3A_523, %dma_start3A_555] : memref<204800x128xf32, #tpu.memory_space<hbm>> -> memref<64x128xf32, #tpu.memory_space<hbm>>
      %dma_start3A_557 = arith.constant 0 : i32
      %dma_start3A_558 = tpu.memref_slice %arg5[%add3A_523, %dma_start3A_557] : memref<204800x128xf32, #tpu.memory_space<hbm>> -> memref<64x128xf32, #tpu.memory_space<hbm>>
      %dma_start3A_559 = arith.constant 576 : i32
      %dma_start3A_560 = arith.constant 0 : i32
      %dma_start3A_561 = tpu.memref_slice %arg7[%dma_start3A_559, %dma_start3A_560] : memref<640x128xf32, #tpu.memory_space<vmem>> -> memref<64x128xf32, #tpu.memory_space<vmem>>
      tpu.enqueue_dma source(%dma_start3A_561 : memref<64x128xf32, #tpu.memory_space<vmem>>) target(%dma_start3A_558 : memref<64x128xf32, #tpu.memory_space<hbm>>) target_semaphore(%arg38 : memref<!tpu.dma_semaphore, #tpu.memory_space<semaphore_mem>>)
      %dma_wait3A_562 = arith.constant 0 : i32
      %dma_wait3A_563 = arith.constant 0 : i32
      %dma_wait3A_564 = tpu.memref_slice %arg7[%dma_wait3A_562, %dma_wait3A_563] : memref<640x128xf32, #tpu.memory_space<vmem>> -> memref<64x128xf32, #tpu.memory_space<vmem>>
      %dma_wait3A_565 = arith.constant 0 : i32
      %dma_wait3A_566 = tpu.memref_slice %arg5[%add3A_137, %dma_wait3A_565] : memref<204800x128xf32, #tpu.memory_space<hbm>> -> memref<64x128xf32, #tpu.memory_space<hbm>>
      %dma_wait3A_567 = arith.constant 0 : i32
      %dma_wait3A_568 = tpu.memref_slice %arg5[%add3A_137, %dma_wait3A_567] : memref<204800x128xf32, #tpu.memory_space<hbm>> -> memref<64x128xf32, #tpu.memory_space<hbm>>
      %dma_wait3A_569 = arith.constant 0 : i32
      %dma_wait3A_570 = arith.constant 0 : i32
      %dma_wait3A_571 = tpu.memref_slice %arg7[%dma_wait3A_569, %dma_wait3A_570] : memref<640x128xf32, #tpu.memory_space<vmem>> -> memref<64x128xf32, #tpu.memory_space<vmem>>
      tpu.wait_dma2 semaphore(%arg29 : memref<!tpu.dma_semaphore, #tpu.memory_space<semaphore_mem>>) src(%dma_wait3A_571 : memref<64x128xf32, #tpu.memory_space<vmem>>) dst(%dma_wait3A_568 : memref<64x128xf32, #tpu.memory_space<hbm>>)
      %add3A_572 = arith.constant 10 : i32
      %add3A_573 = arith.addi %mul3A_132, %add3A_572 : i32
      %add3A_574 = arith.constant 0 : i32
      %add3A_575 = arith.addi %add3A_573, %add3A_574 : i32
      %lt3A = arith.constant 100 : i32
      %lt3A_576 = arith.cmpi slt, %add3A_575, %lt3A : i32
      %convert_element_type3A = arith.extui %lt3A_576 : i1 to i32
      %cond3A = arith.constant 0 : i32
      %cond3A_577 = arith.cmpi ne, %convert_element_type3A, %cond3A : i32
      scf.if %cond3A_577 {
        %add3A_749 = arith.constant 10 : i32
        %add3A_750 = arith.addi %mul3A_132, %add3A_749 : i32
        %add3A_751 = arith.constant 0 : i32
        %add3A_752 = arith.addi %add3A_750, %add3A_751 : i32
        %mul3A_753 = arith.constant 64 : i32
        %mul3A_754 = arith.muli %add3A_752, %mul3A_753 : i32
        %add3A_755 = arith.addi %mul3A_2, %mul3A_754 : i32
        %dma_start3A_756 = arith.constant 0 : i32
        %dma_start3A_757 = arith.constant 0 : i32
        %dma_start3A_758 = tpu.memref_slice %arg7[%dma_start3A_756, %dma_start3A_757] : memref<640x128xf32, #tpu.memory_space<vmem>> -> memref<64x128xf32, #tpu.memory_space<vmem>>
        %dma_start3A_759 = arith.constant 0 : i32
        %dma_start3A_760 = tpu.memref_slice %arg2[%add3A_755, %dma_start3A_759] : memref<204800x128xf32, #tpu.memory_space<hbm>> -> memref<64x128xf32, #tpu.memory_space<hbm>>
        %dma_start3A_761 = arith.constant 0 : i32
        %dma_start3A_762 = arith.constant 0 : i32
        %dma_start3A_763 = tpu.memref_slice %arg7[%dma_start3A_761, %dma_start3A_762] : memref<640x128xf32, #tpu.memory_space<vmem>> -> memref<64x128xf32, #tpu.memory_space<vmem>>
        %dma_start3A_764 = arith.constant 0 : i32
        %dma_start3A_765 = tpu.memref_slice %arg2[%add3A_755, %dma_start3A_764] : memref<204800x128xf32, #tpu.memory_space<hbm>> -> memref<64x128xf32, #tpu.memory_space<hbm>>
        tpu.enqueue_dma source(%dma_start3A_765 : memref<64x128xf32, #tpu.memory_space<hbm>>) target(%dma_start3A_763 : memref<64x128xf32, #tpu.memory_space<vmem>>) target_semaphore(%arg9 : memref<!tpu.dma_semaphore, #tpu.memory_space<semaphore_mem>>)
      } else {
      }
      %dma_wait3A_578 = arith.constant 64 : i32
      %dma_wait3A_579 = arith.constant 0 : i32
      %dma_wait3A_580 = tpu.memref_slice %arg7[%dma_wait3A_578, %dma_wait3A_579] : memref<640x128xf32, #tpu.memory_space<vmem>> -> memref<64x128xf32, #tpu.memory_space<vmem>>
      %dma_wait3A_581 = arith.constant 0 : i32
      %dma_wait3A_582 = tpu.memref_slice %arg5[%add3A_179, %dma_wait3A_581] : memref<204800x128xf32, #tpu.memory_space<hbm>> -> memref<64x128xf32, #tpu.memory_space<hbm>>
      %dma_wait3A_583 = arith.constant 0 : i32
      %dma_wait3A_584 = tpu.memref_slice %arg5[%add3A_179, %dma_wait3A_583] : memref<204800x128xf32, #tpu.memory_space<hbm>> -> memref<64x128xf32, #tpu.memory_space<hbm>>
      %dma_wait3A_585 = arith.constant 64 : i32
      %dma_wait3A_586 = arith.constant 0 : i32
      %dma_wait3A_587 = tpu.memref_slice %arg7[%dma_wait3A_585, %dma_wait3A_586] : memref<640x128xf32, #tpu.memory_space<vmem>> -> memref<64x128xf32, #tpu.memory_space<vmem>>
      tpu.wait_dma2 semaphore(%arg30 : memref<!tpu.dma_semaphore, #tpu.memory_space<semaphore_mem>>) src(%dma_wait3A_587 : memref<64x128xf32, #tpu.memory_space<vmem>>) dst(%dma_wait3A_584 : memref<64x128xf32, #tpu.memory_space<hbm>>)
      %add3A_588 = arith.constant 10 : i32
      %add3A_589 = arith.addi %mul3A_132, %add3A_588 : i32
      %add3A_590 = arith.constant 1 : i32
      %add3A_591 = arith.addi %add3A_589, %add3A_590 : i32
      %lt3A_592 = arith.constant 100 : i32
      %lt3A_593 = arith.cmpi slt, %add3A_591, %lt3A_592 : i32
      %convert_element_type3A_594 = arith.extui %lt3A_593 : i1 to i32
      %cond3A_595 = arith.constant 0 : i32
      %cond3A_596 = arith.cmpi ne, %convert_element_type3A_594, %cond3A_595 : i32
      scf.if %cond3A_596 {
        %add3A_749 = arith.constant 10 : i32
        %add3A_750 = arith.addi %mul3A_132, %add3A_749 : i32
        %add3A_751 = arith.constant 1 : i32
        %add3A_752 = arith.addi %add3A_750, %add3A_751 : i32
        %mul3A_753 = arith.constant 64 : i32
        %mul3A_754 = arith.muli %add3A_752, %mul3A_753 : i32
        %add3A_755 = arith.addi %mul3A_2, %mul3A_754 : i32
        %dma_start3A_756 = arith.constant 64 : i32
        %dma_start3A_757 = arith.constant 0 : i32
        %dma_start3A_758 = tpu.memref_slice %arg7[%dma_start3A_756, %dma_start3A_757] : memref<640x128xf32, #tpu.memory_space<vmem>> -> memref<64x128xf32, #tpu.memory_space<vmem>>
        %dma_start3A_759 = arith.constant 0 : i32
        %dma_start3A_760 = tpu.memref_slice %arg2[%add3A_755, %dma_start3A_759] : memref<204800x128xf32, #tpu.memory_space<hbm>> -> memref<64x128xf32, #tpu.memory_space<hbm>>
        %dma_start3A_761 = arith.constant 64 : i32
        %dma_start3A_762 = arith.constant 0 : i32
        %dma_start3A_763 = tpu.memref_slice %arg7[%dma_start3A_761, %dma_start3A_762] : memref<640x128xf32, #tpu.memory_space<vmem>> -> memref<64x128xf32, #tpu.memory_space<vmem>>
        %dma_start3A_764 = arith.constant 0 : i32
        %dma_start3A_765 = tpu.memref_slice %arg2[%add3A_755, %dma_start3A_764] : memref<204800x128xf32, #tpu.memory_space<hbm>> -> memref<64x128xf32, #tpu.memory_space<hbm>>
        tpu.enqueue_dma source(%dma_start3A_765 : memref<64x128xf32, #tpu.memory_space<hbm>>) target(%dma_start3A_763 : memref<64x128xf32, #tpu.memory_space<vmem>>) target_semaphore(%arg10 : memref<!tpu.dma_semaphore, #tpu.memory_space<semaphore_mem>>)
      } else {
      }
      %dma_wait3A_597 = arith.constant 128 : i32
      %dma_wait3A_598 = arith.constant 0 : i32
      %dma_wait3A_599 = tpu.memref_slice %arg7[%dma_wait3A_597, %dma_wait3A_598] : memref<640x128xf32, #tpu.memory_space<vmem>> -> memref<64x128xf32, #tpu.memory_space<vmem>>
      %dma_wait3A_600 = arith.constant 0 : i32
      %dma_wait3A_601 = tpu.memref_slice %arg5[%add3A_222, %dma_wait3A_600] : memref<204800x128xf32, #tpu.memory_space<hbm>> -> memref<64x128xf32, #tpu.memory_space<hbm>>
      %dma_wait3A_602 = arith.constant 0 : i32
      %dma_wait3A_603 = tpu.memref_slice %arg5[%add3A_222, %dma_wait3A_602] : memref<204800x128xf32, #tpu.memory_space<hbm>> -> memref<64x128xf32, #tpu.memory_space<hbm>>
      %dma_wait3A_604 = arith.constant 128 : i32
      %dma_wait3A_605 = arith.constant 0 : i32
      %dma_wait3A_606 = tpu.memref_slice %arg7[%dma_wait3A_604, %dma_wait3A_605] : memref<640x128xf32, #tpu.memory_space<vmem>> -> memref<64x128xf32, #tpu.memory_space<vmem>>
      tpu.wait_dma2 semaphore(%arg31 : memref<!tpu.dma_semaphore, #tpu.memory_space<semaphore_mem>>) src(%dma_wait3A_606 : memref<64x128xf32, #tpu.memory_space<vmem>>) dst(%dma_wait3A_603 : memref<64x128xf32, #tpu.memory_space<hbm>>)
      %add3A_607 = arith.constant 10 : i32
      %add3A_608 = arith.addi %mul3A_132, %add3A_607 : i32
      %add3A_609 = arith.constant 2 : i32
      %add3A_610 = arith.addi %add3A_608, %add3A_609 : i32
      %lt3A_611 = arith.constant 100 : i32
      %lt3A_612 = arith.cmpi slt, %add3A_610, %lt3A_611 : i32
      %convert_element_type3A_613 = arith.extui %lt3A_612 : i1 to i32
      %cond3A_614 = arith.constant 0 : i32
      %cond3A_615 = arith.cmpi ne, %convert_element_type3A_613, %cond3A_614 : i32
      scf.if %cond3A_615 {
        %add3A_749 = arith.constant 10 : i32
        %add3A_750 = arith.addi %mul3A_132, %add3A_749 : i32
        %add3A_751 = arith.constant 2 : i32
        %add3A_752 = arith.addi %add3A_750, %add3A_751 : i32
        %mul3A_753 = arith.constant 64 : i32
        %mul3A_754 = arith.muli %add3A_752, %mul3A_753 : i32
        %add3A_755 = arith.addi %mul3A_2, %mul3A_754 : i32
        %dma_start3A_756 = arith.constant 128 : i32
        %dma_start3A_757 = arith.constant 0 : i32
        %dma_start3A_758 = tpu.memref_slice %arg7[%dma_start3A_756, %dma_start3A_757] : memref<640x128xf32, #tpu.memory_space<vmem>> -> memref<64x128xf32, #tpu.memory_space<vmem>>
        %dma_start3A_759 = arith.constant 0 : i32
        %dma_start3A_760 = tpu.memref_slice %arg2[%add3A_755, %dma_start3A_759] : memref<204800x128xf32, #tpu.memory_space<hbm>> -> memref<64x128xf32, #tpu.memory_space<hbm>>
        %dma_start3A_761 = arith.constant 128 : i32
        %dma_start3A_762 = arith.constant 0 : i32
        %dma_start3A_763 = tpu.memref_slice %arg7[%dma_start3A_761, %dma_start3A_762] : memref<640x128xf32, #tpu.memory_space<vmem>> -> memref<64x128xf32, #tpu.memory_space<vmem>>
        %dma_start3A_764 = arith.constant 0 : i32
        %dma_start3A_765 = tpu.memref_slice %arg2[%add3A_755, %dma_start3A_764] : memref<204800x128xf32, #tpu.memory_space<hbm>> -> memref<64x128xf32, #tpu.memory_space<hbm>>
        tpu.enqueue_dma source(%dma_start3A_765 : memref<64x128xf32, #tpu.memory_space<hbm>>) target(%dma_start3A_763 : memref<64x128xf32, #tpu.memory_space<vmem>>) target_semaphore(%arg11 : memref<!tpu.dma_semaphore, #tpu.memory_space<semaphore_mem>>)
      } else {
      }
      %dma_wait3A_616 = arith.constant 192 : i32
      %dma_wait3A_617 = arith.constant 0 : i32
      %dma_wait3A_618 = tpu.memref_slice %arg7[%dma_wait3A_616, %dma_wait3A_617] : memref<640x128xf32, #tpu.memory_space<vmem>> -> memref<64x128xf32, #tpu.memory_space<vmem>>
      %dma_wait3A_619 = arith.constant 0 : i32
      %dma_wait3A_620 = tpu.memref_slice %arg5[%add3A_265, %dma_wait3A_619] : memref<204800x128xf32, #tpu.memory_space<hbm>> -> memref<64x128xf32, #tpu.memory_space<hbm>>
      %dma_wait3A_621 = arith.constant 0 : i32
      %dma_wait3A_622 = tpu.memref_slice %arg5[%add3A_265, %dma_wait3A_621] : memref<204800x128xf32, #tpu.memory_space<hbm>> -> memref<64x128xf32, #tpu.memory_space<hbm>>
      %dma_wait3A_623 = arith.constant 192 : i32
      %dma_wait3A_624 = arith.constant 0 : i32
      %dma_wait3A_625 = tpu.memref_slice %arg7[%dma_wait3A_623, %dma_wait3A_624] : memref<640x128xf32, #tpu.memory_space<vmem>> -> memref<64x128xf32, #tpu.memory_space<vmem>>
      tpu.wait_dma2 semaphore(%arg32 : memref<!tpu.dma_semaphore, #tpu.memory_space<semaphore_mem>>) src(%dma_wait3A_625 : memref<64x128xf32, #tpu.memory_space<vmem>>) dst(%dma_wait3A_622 : memref<64x128xf32, #tpu.memory_space<hbm>>)
      %add3A_626 = arith.constant 10 : i32
      %add3A_627 = arith.addi %mul3A_132, %add3A_626 : i32
      %add3A_628 = arith.constant 3 : i32
      %add3A_629 = arith.addi %add3A_627, %add3A_628 : i32
      %lt3A_630 = arith.constant 100 : i32
      %lt3A_631 = arith.cmpi slt, %add3A_629, %lt3A_630 : i32
      %convert_element_type3A_632 = arith.extui %lt3A_631 : i1 to i32
      %cond3A_633 = arith.constant 0 : i32
      %cond3A_634 = arith.cmpi ne, %convert_element_type3A_632, %cond3A_633 : i32
      scf.if %cond3A_634 {
        %add3A_749 = arith.constant 10 : i32
        %add3A_750 = arith.addi %mul3A_132, %add3A_749 : i32
        %add3A_751 = arith.constant 3 : i32
        %add3A_752 = arith.addi %add3A_750, %add3A_751 : i32
        %mul3A_753 = arith.constant 64 : i32
        %mul3A_754 = arith.muli %add3A_752, %mul3A_753 : i32
        %add3A_755 = arith.addi %mul3A_2, %mul3A_754 : i32
        %dma_start3A_756 = arith.constant 192 : i32
        %dma_start3A_757 = arith.constant 0 : i32
        %dma_start3A_758 = tpu.memref_slice %arg7[%dma_start3A_756, %dma_start3A_757] : memref<640x128xf32, #tpu.memory_space<vmem>> -> memref<64x128xf32, #tpu.memory_space<vmem>>
        %dma_start3A_759 = arith.constant 0 : i32
        %dma_start3A_760 = tpu.memref_slice %arg2[%add3A_755, %dma_start3A_759] : memref<204800x128xf32, #tpu.memory_space<hbm>> -> memref<64x128xf32, #tpu.memory_space<hbm>>
        %dma_start3A_761 = arith.constant 192 : i32
        %dma_start3A_762 = arith.constant 0 : i32
        %dma_start3A_763 = tpu.memref_slice %arg7[%dma_start3A_761, %dma_start3A_762] : memref<640x128xf32, #tpu.memory_space<vmem>> -> memref<64x128xf32, #tpu.memory_space<vmem>>
        %dma_start3A_764 = arith.constant 0 : i32
        %dma_start3A_765 = tpu.memref_slice %arg2[%add3A_755, %dma_start3A_764] : memref<204800x128xf32, #tpu.memory_space<hbm>> -> memref<64x128xf32, #tpu.memory_space<hbm>>
        tpu.enqueue_dma source(%dma_start3A_765 : memref<64x128xf32, #tpu.memory_space<hbm>>) target(%dma_start3A_763 : memref<64x128xf32, #tpu.memory_space<vmem>>) target_semaphore(%arg12 : memref<!tpu.dma_semaphore, #tpu.memory_space<semaphore_mem>>)
      } else {
      }
      %dma_wait3A_635 = arith.constant 256 : i32
      %dma_wait3A_636 = arith.constant 0 : i32
      %dma_wait3A_637 = tpu.memref_slice %arg7[%dma_wait3A_635, %dma_wait3A_636] : memref<640x128xf32, #tpu.memory_space<vmem>> -> memref<64x128xf32, #tpu.memory_space<vmem>>
      %dma_wait3A_638 = arith.constant 0 : i32
      %dma_wait3A_639 = tpu.memref_slice %arg5[%add3A_308, %dma_wait3A_638] : memref<204800x128xf32, #tpu.memory_space<hbm>> -> memref<64x128xf32, #tpu.memory_space<hbm>>
      %dma_wait3A_640 = arith.constant 0 : i32
      %dma_wait3A_641 = tpu.memref_slice %arg5[%add3A_308, %dma_wait3A_640] : memref<204800x128xf32, #tpu.memory_space<hbm>> -> memref<64x128xf32, #tpu.memory_space<hbm>>
      %dma_wait3A_642 = arith.constant 256 : i32
      %dma_wait3A_643 = arith.constant 0 : i32
      %dma_wait3A_644 = tpu.memref_slice %arg7[%dma_wait3A_642, %dma_wait3A_643] : memref<640x128xf32, #tpu.memory_space<vmem>> -> memref<64x128xf32, #tpu.memory_space<vmem>>
      tpu.wait_dma2 semaphore(%arg33 : memref<!tpu.dma_semaphore, #tpu.memory_space<semaphore_mem>>) src(%dma_wait3A_644 : memref<64x128xf32, #tpu.memory_space<vmem>>) dst(%dma_wait3A_641 : memref<64x128xf32, #tpu.memory_space<hbm>>)
      %add3A_645 = arith.constant 10 : i32
      %add3A_646 = arith.addi %mul3A_132, %add3A_645 : i32
      %add3A_647 = arith.constant 4 : i32
      %add3A_648 = arith.addi %add3A_646, %add3A_647 : i32
      %lt3A_649 = arith.constant 100 : i32
      %lt3A_650 = arith.cmpi slt, %add3A_648, %lt3A_649 : i32
      %convert_element_type3A_651 = arith.extui %lt3A_650 : i1 to i32
      %cond3A_652 = arith.constant 0 : i32
      %cond3A_653 = arith.cmpi ne, %convert_element_type3A_651, %cond3A_652 : i32
      scf.if %cond3A_653 {
        %add3A_749 = arith.constant 10 : i32
        %add3A_750 = arith.addi %mul3A_132, %add3A_749 : i32
        %add3A_751 = arith.constant 4 : i32
        %add3A_752 = arith.addi %add3A_750, %add3A_751 : i32
        %mul3A_753 = arith.constant 64 : i32
        %mul3A_754 = arith.muli %add3A_752, %mul3A_753 : i32
        %add3A_755 = arith.addi %mul3A_2, %mul3A_754 : i32
        %dma_start3A_756 = arith.constant 256 : i32
        %dma_start3A_757 = arith.constant 0 : i32
        %dma_start3A_758 = tpu.memref_slice %arg7[%dma_start3A_756, %dma_start3A_757] : memref<640x128xf32, #tpu.memory_space<vmem>> -> memref<64x128xf32, #tpu.memory_space<vmem>>
        %dma_start3A_759 = arith.constant 0 : i32
        %dma_start3A_760 = tpu.memref_slice %arg2[%add3A_755, %dma_start3A_759] : memref<204800x128xf32, #tpu.memory_space<hbm>> -> memref<64x128xf32, #tpu.memory_space<hbm>>
        %dma_start3A_761 = arith.constant 256 : i32
        %dma_start3A_762 = arith.constant 0 : i32
        %dma_start3A_763 = tpu.memref_slice %arg7[%dma_start3A_761, %dma_start3A_762] : memref<640x128xf32, #tpu.memory_space<vmem>> -> memref<64x128xf32, #tpu.memory_space<vmem>>
        %dma_start3A_764 = arith.constant 0 : i32
        %dma_start3A_765 = tpu.memref_slice %arg2[%add3A_755, %dma_start3A_764] : memref<204800x128xf32, #tpu.memory_space<hbm>> -> memref<64x128xf32, #tpu.memory_space<hbm>>
        tpu.enqueue_dma source(%dma_start3A_765 : memref<64x128xf32, #tpu.memory_space<hbm>>) target(%dma_start3A_763 : memref<64x128xf32, #tpu.memory_space<vmem>>) target_semaphore(%arg13 : memref<!tpu.dma_semaphore, #tpu.memory_space<semaphore_mem>>)
      } else {
      }
      %dma_wait3A_654 = arith.constant 320 : i32
      %dma_wait3A_655 = arith.constant 0 : i32
      %dma_wait3A_656 = tpu.memref_slice %arg7[%dma_wait3A_654, %dma_wait3A_655] : memref<640x128xf32, #tpu.memory_space<vmem>> -> memref<64x128xf32, #tpu.memory_space<vmem>>
      %dma_wait3A_657 = arith.constant 0 : i32
      %dma_wait3A_658 = tpu.memref_slice %arg5[%add3A_351, %dma_wait3A_657] : memref<204800x128xf32, #tpu.memory_space<hbm>> -> memref<64x128xf32, #tpu.memory_space<hbm>>
      %dma_wait3A_659 = arith.constant 0 : i32
      %dma_wait3A_660 = tpu.memref_slice %arg5[%add3A_351, %dma_wait3A_659] : memref<204800x128xf32, #tpu.memory_space<hbm>> -> memref<64x128xf32, #tpu.memory_space<hbm>>
      %dma_wait3A_661 = arith.constant 320 : i32
      %dma_wait3A_662 = arith.constant 0 : i32
      %dma_wait3A_663 = tpu.memref_slice %arg7[%dma_wait3A_661, %dma_wait3A_662] : memref<640x128xf32, #tpu.memory_space<vmem>> -> memref<64x128xf32, #tpu.memory_space<vmem>>
      tpu.wait_dma2 semaphore(%arg34 : memref<!tpu.dma_semaphore, #tpu.memory_space<semaphore_mem>>) src(%dma_wait3A_663 : memref<64x128xf32, #tpu.memory_space<vmem>>) dst(%dma_wait3A_660 : memref<64x128xf32, #tpu.memory_space<hbm>>)
      %add3A_664 = arith.constant 10 : i32
      %add3A_665 = arith.addi %mul3A_132, %add3A_664 : i32
      %add3A_666 = arith.constant 5 : i32
      %add3A_667 = arith.addi %add3A_665, %add3A_666 : i32
      %lt3A_668 = arith.constant 100 : i32
      %lt3A_669 = arith.cmpi slt, %add3A_667, %lt3A_668 : i32
      %convert_element_type3A_670 = arith.extui %lt3A_669 : i1 to i32
      %cond3A_671 = arith.constant 0 : i32
      %cond3A_672 = arith.cmpi ne, %convert_element_type3A_670, %cond3A_671 : i32
      scf.if %cond3A_672 {
        %add3A_749 = arith.constant 10 : i32
        %add3A_750 = arith.addi %mul3A_132, %add3A_749 : i32
        %add3A_751 = arith.constant 5 : i32
        %add3A_752 = arith.addi %add3A_750, %add3A_751 : i32
        %mul3A_753 = arith.constant 64 : i32
        %mul3A_754 = arith.muli %add3A_752, %mul3A_753 : i32
        %add3A_755 = arith.addi %mul3A_2, %mul3A_754 : i32
        %dma_start3A_756 = arith.constant 320 : i32
        %dma_start3A_757 = arith.constant 0 : i32
        %dma_start3A_758 = tpu.memref_slice %arg7[%dma_start3A_756, %dma_start3A_757] : memref<640x128xf32, #tpu.memory_space<vmem>> -> memref<64x128xf32, #tpu.memory_space<vmem>>
        %dma_start3A_759 = arith.constant 0 : i32
        %dma_start3A_760 = tpu.memref_slice %arg2[%add3A_755, %dma_start3A_759] : memref<204800x128xf32, #tpu.memory_space<hbm>> -> memref<64x128xf32, #tpu.memory_space<hbm>>
        %dma_start3A_761 = arith.constant 320 : i32
        %dma_start3A_762 = arith.constant 0 : i32
        %dma_start3A_763 = tpu.memref_slice %arg7[%dma_start3A_761, %dma_start3A_762] : memref<640x128xf32, #tpu.memory_space<vmem>> -> memref<64x128xf32, #tpu.memory_space<vmem>>
        %dma_start3A_764 = arith.constant 0 : i32
        %dma_start3A_765 = tpu.memref_slice %arg2[%add3A_755, %dma_start3A_764] : memref<204800x128xf32, #tpu.memory_space<hbm>> -> memref<64x128xf32, #tpu.memory_space<hbm>>
        tpu.enqueue_dma source(%dma_start3A_765 : memref<64x128xf32, #tpu.memory_space<hbm>>) target(%dma_start3A_763 : memref<64x128xf32, #tpu.memory_space<vmem>>) target_semaphore(%arg14 : memref<!tpu.dma_semaphore, #tpu.memory_space<semaphore_mem>>)
      } else {
      }
      %dma_wait3A_673 = arith.constant 384 : i32
      %dma_wait3A_674 = arith.constant 0 : i32
      %dma_wait3A_675 = tpu.memref_slice %arg7[%dma_wait3A_673, %dma_wait3A_674] : memref<640x128xf32, #tpu.memory_space<vmem>> -> memref<64x128xf32, #tpu.memory_space<vmem>>
      %dma_wait3A_676 = arith.constant 0 : i32
      %dma_wait3A_677 = tpu.memref_slice %arg5[%add3A_394, %dma_wait3A_676] : memref<204800x128xf32, #tpu.memory_space<hbm>> -> memref<64x128xf32, #tpu.memory_space<hbm>>
      %dma_wait3A_678 = arith.constant 0 : i32
      %dma_wait3A_679 = tpu.memref_slice %arg5[%add3A_394, %dma_wait3A_678] : memref<204800x128xf32, #tpu.memory_space<hbm>> -> memref<64x128xf32, #tpu.memory_space<hbm>>
      %dma_wait3A_680 = arith.constant 384 : i32
      %dma_wait3A_681 = arith.constant 0 : i32
      %dma_wait3A_682 = tpu.memref_slice %arg7[%dma_wait3A_680, %dma_wait3A_681] : memref<640x128xf32, #tpu.memory_space<vmem>> -> memref<64x128xf32, #tpu.memory_space<vmem>>
      tpu.wait_dma2 semaphore(%arg35 : memref<!tpu.dma_semaphore, #tpu.memory_space<semaphore_mem>>) src(%dma_wait3A_682 : memref<64x128xf32, #tpu.memory_space<vmem>>) dst(%dma_wait3A_679 : memref<64x128xf32, #tpu.memory_space<hbm>>)
      %add3A_683 = arith.constant 10 : i32
      %add3A_684 = arith.addi %mul3A_132, %add3A_683 : i32
      %add3A_685 = arith.constant 6 : i32
      %add3A_686 = arith.addi %add3A_684, %add3A_685 : i32
      %lt3A_687 = arith.constant 100 : i32
      %lt3A_688 = arith.cmpi slt, %add3A_686, %lt3A_687 : i32
      %convert_element_type3A_689 = arith.extui %lt3A_688 : i1 to i32
      %cond3A_690 = arith.constant 0 : i32
      %cond3A_691 = arith.cmpi ne, %convert_element_type3A_689, %cond3A_690 : i32
      scf.if %cond3A_691 {
        %add3A_749 = arith.constant 10 : i32
        %add3A_750 = arith.addi %mul3A_132, %add3A_749 : i32
        %add3A_751 = arith.constant 6 : i32
        %add3A_752 = arith.addi %add3A_750, %add3A_751 : i32
        %mul3A_753 = arith.constant 64 : i32
        %mul3A_754 = arith.muli %add3A_752, %mul3A_753 : i32
        %add3A_755 = arith.addi %mul3A_2, %mul3A_754 : i32
        %dma_start3A_756 = arith.constant 384 : i32
        %dma_start3A_757 = arith.constant 0 : i32
        %dma_start3A_758 = tpu.memref_slice %arg7[%dma_start3A_756, %dma_start3A_757] : memref<640x128xf32, #tpu.memory_space<vmem>> -> memref<64x128xf32, #tpu.memory_space<vmem>>
        %dma_start3A_759 = arith.constant 0 : i32
        %dma_start3A_760 = tpu.memref_slice %arg2[%add3A_755, %dma_start3A_759] : memref<204800x128xf32, #tpu.memory_space<hbm>> -> memref<64x128xf32, #tpu.memory_space<hbm>>
        %dma_start3A_761 = arith.constant 384 : i32
        %dma_start3A_762 = arith.constant 0 : i32
        %dma_start3A_763 = tpu.memref_slice %arg7[%dma_start3A_761, %dma_start3A_762] : memref<640x128xf32, #tpu.memory_space<vmem>> -> memref<64x128xf32, #tpu.memory_space<vmem>>
        %dma_start3A_764 = arith.constant 0 : i32
        %dma_start3A_765 = tpu.memref_slice %arg2[%add3A_755, %dma_start3A_764] : memref<204800x128xf32, #tpu.memory_space<hbm>> -> memref<64x128xf32, #tpu.memory_space<hbm>>
        tpu.enqueue_dma source(%dma_start3A_765 : memref<64x128xf32, #tpu.memory_space<hbm>>) target(%dma_start3A_763 : memref<64x128xf32, #tpu.memory_space<vmem>>) target_semaphore(%arg15 : memref<!tpu.dma_semaphore, #tpu.memory_space<semaphore_mem>>)
      } else {
      }
      %dma_wait3A_692 = arith.constant 448 : i32
      %dma_wait3A_693 = arith.constant 0 : i32
      %dma_wait3A_694 = tpu.memref_slice %arg7[%dma_wait3A_692, %dma_wait3A_693] : memref<640x128xf32, #tpu.memory_space<vmem>> -> memref<64x128xf32, #tpu.memory_space<vmem>>
      %dma_wait3A_695 = arith.constant 0 : i32
      %dma_wait3A_696 = tpu.memref_slice %arg5[%add3A_437, %dma_wait3A_695] : memref<204800x128xf32, #tpu.memory_space<hbm>> -> memref<64x128xf32, #tpu.memory_space<hbm>>
      %dma_wait3A_697 = arith.constant 0 : i32
      %dma_wait3A_698 = tpu.memref_slice %arg5[%add3A_437, %dma_wait3A_697] : memref<204800x128xf32, #tpu.memory_space<hbm>> -> memref<64x128xf32, #tpu.memory_space<hbm>>
      %dma_wait3A_699 = arith.constant 448 : i32
      %dma_wait3A_700 = arith.constant 0 : i32
      %dma_wait3A_701 = tpu.memref_slice %arg7[%dma_wait3A_699, %dma_wait3A_700] : memref<640x128xf32, #tpu.memory_space<vmem>> -> memref<64x128xf32, #tpu.memory_space<vmem>>
      tpu.wait_dma2 semaphore(%arg36 : memref<!tpu.dma_semaphore, #tpu.memory_space<semaphore_mem>>) src(%dma_wait3A_701 : memref<64x128xf32, #tpu.memory_space<vmem>>) dst(%dma_wait3A_698 : memref<64x128xf32, #tpu.memory_space<hbm>>)
      %add3A_702 = arith.constant 10 : i32
      %add3A_703 = arith.addi %mul3A_132, %add3A_702 : i32
      %add3A_704 = arith.constant 7 : i32
      %add3A_705 = arith.addi %add3A_703, %add3A_704 : i32
      %lt3A_706 = arith.constant 100 : i32
      %lt3A_707 = arith.cmpi slt, %add3A_705, %lt3A_706 : i32
      %convert_element_type3A_708 = arith.extui %lt3A_707 : i1 to i32
      %cond3A_709 = arith.constant 0 : i32
      %cond3A_710 = arith.cmpi ne, %convert_element_type3A_708, %cond3A_709 : i32
      scf.if %cond3A_710 {
        %add3A_749 = arith.constant 10 : i32
        %add3A_750 = arith.addi %mul3A_132, %add3A_749 : i32
        %add3A_751 = arith.constant 7 : i32
        %add3A_752 = arith.addi %add3A_750, %add3A_751 : i32
        %mul3A_753 = arith.constant 64 : i32
        %mul3A_754 = arith.muli %add3A_752, %mul3A_753 : i32
        %add3A_755 = arith.addi %mul3A_2, %mul3A_754 : i32
        %dma_start3A_756 = arith.constant 448 : i32
        %dma_start3A_757 = arith.constant 0 : i32
        %dma_start3A_758 = tpu.memref_slice %arg7[%dma_start3A_756, %dma_start3A_757] : memref<640x128xf32, #tpu.memory_space<vmem>> -> memref<64x128xf32, #tpu.memory_space<vmem>>
        %dma_start3A_759 = arith.constant 0 : i32
        %dma_start3A_760 = tpu.memref_slice %arg2[%add3A_755, %dma_start3A_759] : memref<204800x128xf32, #tpu.memory_space<hbm>> -> memref<64x128xf32, #tpu.memory_space<hbm>>
        %dma_start3A_761 = arith.constant 448 : i32
        %dma_start3A_762 = arith.constant 0 : i32
        %dma_start3A_763 = tpu.memref_slice %arg7[%dma_start3A_761, %dma_start3A_762] : memref<640x128xf32, #tpu.memory_space<vmem>> -> memref<64x128xf32, #tpu.memory_space<vmem>>
        %dma_start3A_764 = arith.constant 0 : i32
        %dma_start3A_765 = tpu.memref_slice %arg2[%add3A_755, %dma_start3A_764] : memref<204800x128xf32, #tpu.memory_space<hbm>> -> memref<64x128xf32, #tpu.memory_space<hbm>>
        tpu.enqueue_dma source(%dma_start3A_765 : memref<64x128xf32, #tpu.memory_space<hbm>>) target(%dma_start3A_763 : memref<64x128xf32, #tpu.memory_space<vmem>>) target_semaphore(%arg16 : memref<!tpu.dma_semaphore, #tpu.memory_space<semaphore_mem>>)
      } else {
      }
      %dma_wait3A_711 = arith.constant 512 : i32
      %dma_wait3A_712 = arith.constant 0 : i32
      %dma_wait3A_713 = tpu.memref_slice %arg7[%dma_wait3A_711, %dma_wait3A_712] : memref<640x128xf32, #tpu.memory_space<vmem>> -> memref<64x128xf32, #tpu.memory_space<vmem>>
      %dma_wait3A_714 = arith.constant 0 : i32
      %dma_wait3A_715 = tpu.memref_slice %arg5[%add3A_480, %dma_wait3A_714] : memref<204800x128xf32, #tpu.memory_space<hbm>> -> memref<64x128xf32, #tpu.memory_space<hbm>>
      %dma_wait3A_716 = arith.constant 0 : i32
      %dma_wait3A_717 = tpu.memref_slice %arg5[%add3A_480, %dma_wait3A_716] : memref<204800x128xf32, #tpu.memory_space<hbm>> -> memref<64x128xf32, #tpu.memory_space<hbm>>
      %dma_wait3A_718 = arith.constant 512 : i32
      %dma_wait3A_719 = arith.constant 0 : i32
      %dma_wait3A_720 = tpu.memref_slice %arg7[%dma_wait3A_718, %dma_wait3A_719] : memref<640x128xf32, #tpu.memory_space<vmem>> -> memref<64x128xf32, #tpu.memory_space<vmem>>
      tpu.wait_dma2 semaphore(%arg37 : memref<!tpu.dma_semaphore, #tpu.memory_space<semaphore_mem>>) src(%dma_wait3A_720 : memref<64x128xf32, #tpu.memory_space<vmem>>) dst(%dma_wait3A_717 : memref<64x128xf32, #tpu.memory_space<hbm>>)
      %add3A_721 = arith.constant 10 : i32
      %add3A_722 = arith.addi %mul3A_132, %add3A_721 : i32
      %add3A_723 = arith.constant 8 : i32
      %add3A_724 = arith.addi %add3A_722, %add3A_723 : i32
      %lt3A_725 = arith.constant 100 : i32
      %lt3A_726 = arith.cmpi slt, %add3A_724, %lt3A_725 : i32
      %convert_element_type3A_727 = arith.extui %lt3A_726 : i1 to i32
      %cond3A_728 = arith.constant 0 : i32
      %cond3A_729 = arith.cmpi ne, %convert_element_type3A_727, %cond3A_728 : i32
      scf.if %cond3A_729 {
        %add3A_749 = arith.constant 10 : i32
        %add3A_750 = arith.addi %mul3A_132, %add3A_749 : i32
        %add3A_751 = arith.constant 8 : i32
        %add3A_752 = arith.addi %add3A_750, %add3A_751 : i32
        %mul3A_753 = arith.constant 64 : i32
        %mul3A_754 = arith.muli %add3A_752, %mul3A_753 : i32
        %add3A_755 = arith.addi %mul3A_2, %mul3A_754 : i32
        %dma_start3A_756 = arith.constant 512 : i32
        %dma_start3A_757 = arith.constant 0 : i32
        %dma_start3A_758 = tpu.memref_slice %arg7[%dma_start3A_756, %dma_start3A_757] : memref<640x128xf32, #tpu.memory_space<vmem>> -> memref<64x128xf32, #tpu.memory_space<vmem>>
        %dma_start3A_759 = arith.constant 0 : i32
        %dma_start3A_760 = tpu.memref_slice %arg2[%add3A_755, %dma_start3A_759] : memref<204800x128xf32, #tpu.memory_space<hbm>> -> memref<64x128xf32, #tpu.memory_space<hbm>>
        %dma_start3A_761 = arith.constant 512 : i32
        %dma_start3A_762 = arith.constant 0 : i32
        %dma_start3A_763 = tpu.memref_slice %arg7[%dma_start3A_761, %dma_start3A_762] : memref<640x128xf32, #tpu.memory_space<vmem>> -> memref<64x128xf32, #tpu.memory_space<vmem>>
        %dma_start3A_764 = arith.constant 0 : i32
        %dma_start3A_765 = tpu.memref_slice %arg2[%add3A_755, %dma_start3A_764] : memref<204800x128xf32, #tpu.memory_space<hbm>> -> memref<64x128xf32, #tpu.memory_space<hbm>>
        tpu.enqueue_dma source(%dma_start3A_765 : memref<64x128xf32, #tpu.memory_space<hbm>>) target(%dma_start3A_763 : memref<64x128xf32, #tpu.memory_space<vmem>>) target_semaphore(%arg17 : memref<!tpu.dma_semaphore, #tpu.memory_space<semaphore_mem>>)
      } else {
      }
      %dma_wait3A_730 = arith.constant 576 : i32
      %dma_wait3A_731 = arith.constant 0 : i32
      %dma_wait3A_732 = tpu.memref_slice %arg7[%dma_wait3A_730, %dma_wait3A_731] : memref<640x128xf32, #tpu.memory_space<vmem>> -> memref<64x128xf32, #tpu.memory_space<vmem>>
      %dma_wait3A_733 = arith.constant 0 : i32
      %dma_wait3A_734 = tpu.memref_slice %arg5[%add3A_523, %dma_wait3A_733] : memref<204800x128xf32, #tpu.memory_space<hbm>> -> memref<64x128xf32, #tpu.memory_space<hbm>>
      %dma_wait3A_735 = arith.constant 0 : i32
      %dma_wait3A_736 = tpu.memref_slice %arg5[%add3A_523, %dma_wait3A_735] : memref<204800x128xf32, #tpu.memory_space<hbm>> -> memref<64x128xf32, #tpu.memory_space<hbm>>
      %dma_wait3A_737 = arith.constant 576 : i32
      %dma_wait3A_738 = arith.constant 0 : i32
      %dma_wait3A_739 = tpu.memref_slice %arg7[%dma_wait3A_737, %dma_wait3A_738] : memref<640x128xf32, #tpu.memory_space<vmem>> -> memref<64x128xf32, #tpu.memory_space<vmem>>
      tpu.wait_dma2 semaphore(%arg38 : memref<!tpu.dma_semaphore, #tpu.memory_space<semaphore_mem>>) src(%dma_wait3A_739 : memref<64x128xf32, #tpu.memory_space<vmem>>) dst(%dma_wait3A_736 : memref<64x128xf32, #tpu.memory_space<hbm>>)
      %add3A_740 = arith.constant 10 : i32
      %add3A_741 = arith.addi %mul3A_132, %add3A_740 : i32
      %add3A_742 = arith.constant 9 : i32
      %add3A_743 = arith.addi %add3A_741, %add3A_742 : i32
      %lt3A_744 = arith.constant 100 : i32
      %lt3A_745 = arith.cmpi slt, %add3A_743, %lt3A_744 : i32
      %convert_element_type3A_746 = arith.extui %lt3A_745 : i1 to i32
      %cond3A_747 = arith.constant 0 : i32
      %cond3A_748 = arith.cmpi ne, %convert_element_type3A_746, %cond3A_747 : i32
      scf.if %cond3A_748 {
        %add3A_749 = arith.constant 10 : i32
        %add3A_750 = arith.addi %mul3A_132, %add3A_749 : i32
        %add3A_751 = arith.constant 9 : i32
        %add3A_752 = arith.addi %add3A_750, %add3A_751 : i32
        %mul3A_753 = arith.constant 64 : i32
        %mul3A_754 = arith.muli %add3A_752, %mul3A_753 : i32
        %add3A_755 = arith.addi %mul3A_2, %mul3A_754 : i32
        %dma_start3A_756 = arith.constant 576 : i32
        %dma_start3A_757 = arith.constant 0 : i32
        %dma_start3A_758 = tpu.memref_slice %arg7[%dma_start3A_756, %dma_start3A_757] : memref<640x128xf32, #tpu.memory_space<vmem>> -> memref<64x128xf32, #tpu.memory_space<vmem>>
        %dma_start3A_759 = arith.constant 0 : i32
        %dma_start3A_760 = tpu.memref_slice %arg2[%add3A_755, %dma_start3A_759] : memref<204800x128xf32, #tpu.memory_space<hbm>> -> memref<64x128xf32, #tpu.memory_space<hbm>>
        %dma_start3A_761 = arith.constant 576 : i32
        %dma_start3A_762 = arith.constant 0 : i32
        %dma_start3A_763 = tpu.memref_slice %arg7[%dma_start3A_761, %dma_start3A_762] : memref<640x128xf32, #tpu.memory_space<vmem>> -> memref<64x128xf32, #tpu.memory_space<vmem>>
        %dma_start3A_764 = arith.constant 0 : i32
        %dma_start3A_765 = tpu.memref_slice %arg2[%add3A_755, %dma_start3A_764] : memref<204800x128xf32, #tpu.memory_space<hbm>> -> memref<64x128xf32, #tpu.memory_space<hbm>>
        tpu.enqueue_dma source(%dma_start3A_765 : memref<64x128xf32, #tpu.memory_space<hbm>>) target(%dma_start3A_763 : memref<64x128xf32, #tpu.memory_space<vmem>>) target_semaphore(%arg18 : memref<!tpu.dma_semaphore, #tpu.memory_space<semaphore_mem>>)
      } else {
      }
    }
    %scan3A_129 = arith.constant 10 : i32
    return
  }
}

</mosaic_0001>

<sc_bundles>
// kernel: temporal_encoding_sc.3.cloned.1.call-start
scs
__scs_entry_jumppad:
0x0: {  	(pc) =	sbr.rel $0x88, $3  }
0x1: {  	(tag) =	ssettag $0x0;
	lr =	simm.s32 $0x1  }
0x2: {  	[smem:$0x3F9E] =	sst lr;
	_ =	strace $0xD0000000  }
0x3: {  	_ = 	snop  }
0x4: {  	_ = 	snop  }
0x5: {  	_ = 	snop  }
0x6: {  	_ = 	snop  }
0x7: {  	_ = 	snop  }
__scs_overlays_trampoline_lowered:
0x8: {  	[smem:$0x3FAD] =	sst s0  }
0x9: {  	[smem:$0x3FAE] =	sst s1  }
0xa: {  	[smem:$0x3FAF] =	sst s2  }
0xb: {  	[smem:$0x3FB0] =	sst s3  }
0xc: {  	[smem:$0x3FB1] =	sst s4  }
0xd: {  	[smem:$0x3FB2] =	sst s5  }
0xe: {  	[smem:$0x3FB3] =	sst s6  }
0xf: {  	[smem:$0x3FB4] =	sst s7  }
0x10: {  	[smem:$0x3FB5] =	sst s8  }
0x11: {  	[smem:$0x3FB6] =	sst s9;
	s0 =	simm.s32 @!p0 $0x0  }
0x12: {  	s1 =	sld [smem:$0x3F9C];
	s0 =	simm.s32 @p0 $0x1  }
0x13: {  	[smem:$0x3FB7] =	sst s0;
	s0 =	simm.s32 @!p1 $0x0  }
0x14: {  	s2 =	sld [smem:$0x3F9B];
	s0 =	simm.s32 @p1 $0x1  }
0x15: {  	[smem:$0x3FB8] =	sst s0;
	s0 =	simm.s32 @!p2 $0x0  }
0x16: {  	s3 =	sld [smem:$0x3FDB];
	s0 =	simm.s32 @p2 $0x1  }
0x17: {  	s4 =	simm.s32 $0x1BF5;
	[smem:$0x3FBA] =	sst s0  }
0x18: {  	s0 =	sld [smem:$0x3F9D];
	_ =	swait.ge [sflag:s4], $0x0  }
0x19: {  	s7 =	sld [smem:$0x3F9E]  }
0x1a: {  	s8 =	sadd.s32 $0xFFFFE003, lr  }
0x1b: {  	s9 =	sadd.s32 $0xFFFFFEF7, lr;
	s5 =	simm.s32 $0xFFFFFFFF;
	p2 =	slt.u32 s8, $0xFFFFF086  }
0x1c: {  	p1 =	slt.u32 s9, $0xF7A;
	s5 =	simm.s32 @!p2 $0x0  }
0x1d: {  	s5 =	simm.s32 @p1 $0x1;
	p0 =	seq.s32 s7, s2  }
0x1e: {  	s7 =	smul.u32 @!p0 $0xF7A, s2;
	p2 =	seq.s32 @!p0 s5, $0x0  }
0x1f: {  	s9 =	smul.u32 $0xF7A, s1;
	s8 =	simm.s32 @!p0 $0x1BF5;
	p2 =	por !p2, p0  }
0x20: {  	[sflag:s8] =	ssyncset.s32 @!p0 $0xFFFFF086;
	s6 =	sadd.s32 @!p0 s3, s7;
	s7 =	simm.s32 @!p0 $0x108  }
0x21: {  	s3 =	sadd.s32 s3, s9;
	s6 =	sadd.s32 @!p0 $0x88, s6;
	s7 =	simm.s32 @p2 $0x1082  }
0x22: {  	[simem:s7], [sflag:s8] =	dma.local @!p0 [hbm:s6], $0xF7A  }
0x23: {  	s9 =	sor.u32 $0xD0000000, s2;
	s6 =	simm.s32 $0x108;
	_ =	swait.ge @!p0 [sflag:s8], $0x0  }
0x24: {  	s3 =	sadd.s32 $0x88, s3;
	s6 =	simm.s32 @!p1 $0x1082;
	[sflag:s4] =	ssyncset.s32 $0xFFFFF086  }
0x25: {  	[simem:s6], [sflag:s4] =	dma.local [hbm:s3], $0xF7A  }
0x26: {  	[smem:$0x3F9E] =	sst s1;
	(tag) =	ssettag s2;
	_ =	strace s9  }
0x27: {  	s1 =	sld [smem:$0x3FAE]  }
0x28: {  	s2 =	sld [smem:$0x3FAF]  }
0x29: {  	s4 =	sld [smem:$0x3FB1]  }
0x2a: {  	p0 =	seq.s32 s5, $0x0;
	s5 =	sld [smem:$0x3FB2]  }
0x2b: {  	s6 =	sld [smem:$0x3FB3]  }
0x2c: {  	s7 =	sld [smem:$0x3FB4]  }
0x2d: {  	s3 =	simm.s32 $0x108;
	s8 =	sld [smem:$0x3FB5]  }
0x2e: {  	s3 =	simm.s32 @!p0 $0x1082;
	s9 =	sld [smem:$0x3FB6]  }
0x2f: {  	lr =	sadd.s32 s0, s3;
	s0 =	sld [smem:$0x3FAD]  }
0x30: {  	s3 =	sld [smem:$0x3FB0]  }
0x31: {  	[smem:$0x3FB9] =	sst s10  }
0x32: {  	s10 =	sld [smem:$0x3FB7];
	_ =	sdelay $0x3  }
0x33: {  	p0 =	seq.s32 s10, $0x1;
	s10 =	sld [smem:$0x3FB9];
	_ =	sdelay $0x3  }
0x34: {  	[smem:$0x3FB9] =	sst s10  }
0x35: {  	s10 =	sld [smem:$0x3FB8];
	_ =	sdelay $0x3  }
0x36: {  	p1 =	seq.s32 s10, $0x1;
	s10 =	sld [smem:$0x3FB9];
	_ =	sdelay $0x3  }
0x37: {  	[smem:$0x3FB9] =	sst s10  }
0x38: {  	s10 =	sld [smem:$0x3FBA]  }
0x39: {  	_ = 	snop;
	(pc) =	sbr.ind lr, $3  }
0x3a: {  	_ = 	snop  }
0x3b: {  	_ = 	snop  }
0x3c: {  	p2 =	seq.s32 s10, $0x1;
	s10 =	sld [smem:$0x3FB9]  }
0x3d: {  	_ =	shalt  }
0x3e: {  	_ =	shalt  }
0x3f: {  	_ =	shalt  }
0x40: {  	_ =	shalt  }
0x41: {  	_ =	shalt  }
0x42: {  	_ =	shalt  }
0x43: {  	_ =	shalt  }
0x44: {  	_ =	shalt  }
0x45: {  	_ =	shalt  }
0x46: {  	_ =	shalt  }
0x47: {  	_ =	shalt  }
0x48: {  	_ =	shalt  }
0x49: {  	_ =	shalt  }
0x4a: {  	_ =	shalt  }
0x4b: {  	_ =	shalt  }
0x4c: {  	_ =	shalt  }
0x4d: {  	_ =	shalt  }
0x4e: {  	_ =	shalt  }
0x4f: {  	_ =	shalt  }
0x50: {  	_ =	shalt  }
0x51: {  	_ =	shalt  }
0x52: {  	_ =	shalt  }
0x53: {  	_ =	shalt  }
0x54: {  	_ =	shalt  }
0x55: {  	_ =	shalt  }
0x56: {  	_ =	shalt  }
0x57: {  	_ =	shalt  }
0x58: {  	_ =	shalt  }
0x59: {  	_ =	shalt  }
0x5a: {  	_ =	shalt  }
0x5b: {  	_ =	shalt  }
0x5c: {  	_ =	shalt  }
0x5d: {  	_ =	shalt  }
0x5e: {  	_ =	shalt  }
0x5f: {  	_ =	shalt  }
0x60: {  	_ =	shalt  }
0x61: {  	_ =	shalt  }
0x62: {  	_ =	shalt  }
0x63: {  	_ =	shalt  }
0x64: {  	_ =	shalt  }
0x65: {  	_ =	shalt  }
0x66: {  	_ =	shalt  }
0x67: {  	_ =	shalt  }
0x68: {  	_ =	shalt  }
0x69: {  	_ =	shalt  }
0x6a: {  	_ =	shalt  }
0x6b: {  	_ =	shalt  }
0x6c: {  	_ =	shalt  }
0x6d: {  	_ =	shalt  }
0x6e: {  	_ =	shalt  }
0x6f: {  	_ =	shalt  }
0x70: {  	_ =	shalt  }
0x71: {  	_ =	shalt  }
0x72: {  	_ =	shalt  }
0x73: {  	_ =	shalt  }
0x74: {  	_ =	shalt  }
0x75: {  	_ =	shalt  }
0x76: {  	_ =	shalt  }
0x77: {  	_ =	shalt  }
0x78: {  	_ =	shalt  }
0x79: {  	_ =	shalt  }
0x7a: {  	_ =	shalt  }
0x7b: {  	_ =	shalt  }
0x7c: {  	_ =	shalt  }
0x7d: {  	_ =	shalt  }
0x7e: {  	_ =	shalt  }
0x7f: {  	_ =	shalt  }
0x80: {  	_ =	shalt  }
0x81: {  	_ =	shalt  }
0x82: {  	_ =	shalt  }
0x83: {  	_ =	shalt  }
0x84: {  	_ =	shalt  }
0x85: {  	_ =	shalt  }
0x86: {  	_ =	shalt  }
0x87: {  	_ =	shalt  }
.Lfunc_end0:
.L_simem_size_0:
called_computation_lowered:
.L_overlay_start_0:
0x88: {  	s2 =	sld [smem:$0x3FD9]  }
0x89: {  	s3 =	sld [smem:$0x3FFE];
	_ =	sdelay $0x1  }
0x8a: {  	s1 =	srdreg.scid  }
0x8b: {  	s0 =	sand.u32 $0x1, s1  }
0x8c: {  	s18 =	sshll.u32 s0, $0xA;
	s2 =	sadd.s32 s3, s2  }
0x8d: {  	s2 =	sadd.s32 s2, s18  }
0x8e: {  	[smem:$0x3FC5] =	sst s2  }
0x8f: {  	_ = 	snop  }
0x90: {  	s2 =	sld [smem:$0x3FC9]  }
0x91: {  	s19 =	sld [smem:$0x3FC8]  }
0x92: {  	s4 =	sld [smem:$0x3FC7]  }
0x93: {  	s5 =	sld [smem:$0x3FD0];
	(tm) =	ssettm $0x1  }
0x94: {  	s6 =	sld [smem:$0x3FFB];
	_ =	sdelay $0x3  }
0x95: {  	_ =	strace s6  }
0x96: {  	s6 =	sld [smem:$0x3FFC];
	_ =	sdelay $0x3  }
0x97: {  	_ =	strace s6  }
0x98: {  	s6 =	sld [smem:$0x3FFD];
	_ =	sdelay $0x3  }
0x99: {  	_ =	strace s6  }
0x9a: {  	_ =	strace $0x8FFFFFFF  }
0x9b: {  	s20 =	sld [smem:$0x3FDB];
	_ =	sdelay $0x1  }
0x9c: {  	s7 =	simm.s32 $_scs_section_size  }
0x9d: {  	s8 =	simm.s32 $_size__tile_overlayer_lowered;
	s9 =	simm.s32 $_tile_overlayer_lowered  }
0x9e: {  	s23 =	simm.s32 $0x1BFF;
	s22 =	sshll.u32 s9, $0x1;
	s6 =	sadd.s32 s7, s20  }
0x9f: {  	s10 =	simm.s32 $0x0;
	s21 =	sshll.u32 s8, $0x1;
	s8 =	sadd.s32 s22, s6  }
0xa0: {  	[timem:s10], [sflag:s23] =	dma.local [hbm:s8], s21  }
0xa1: {  	_ =	swait.ge [sflag:s23], s21  }
0xa2: {  	s7 =	ssub.s32 $0x0, s21;
	[sflag:s23] =	ssyncset.done $0x0  }
0xa3: {  	[sflag:s23] =	ssyncadd.s32 s7;
	_ =	sdelay $0x1  }
0xa4: {  	s24 =	simm.s32 $0x1B8B  }
0xa5: {  	_ =	swait.ge [sflag:s24], $0x1  }
0xa6: {  	[sflag:s24] =	ssyncset.done $0x0  }
0xa7: {  	s25 =	simm.s32 $0x1B8E;
	[sflag:s24] =	ssyncadd.s32 $0xFFFFFFFF  }
0xa8: {  	s26 =	simm.s32 $execute0_lowered;
	[smem:$0x3FD2] =	sst s25  }
0xa9: {  	s7 =	sshll.u32 s26, $0x1;
	_ =	strace $0x80000046;
	[dreg:$0x1] =	wrdreg $0xFFFFFFFF  }
0xaa: {  	s28 =	simm.s32 $_size_execute0_lowered;
	s6 =	sadd.s32 s6, s7;
	[dreg:$0x0] =	wrdreg $0x0  }
0xab: {  	s7 =	sshll.u32 s28, $0x1;
	[dreg:$0x2] =	wrdreg s6  }
0xac: {  	[dreg:$0x3] =	wrdreg s7  }
0xad: {  	[dreg:$0x4] =	wrdreg $0xC0  }
0xae: {  	_ =	task [dreg:s10], $0x5FFFF  }
0xaf: {  	[dreg:$0x1] =	wrdreg $0xFFFFFFFF  }
0xb0: {  	[dreg:$0x0] =	wrdreg $0x60  }
0xb1: {  	[dreg:$0x2] =	wrdreg s2  }
0xb2: {  	[dreg:$0x3] =	wrdreg s19  }
0xb3: {  	[dreg:$0x4] =	wrdreg s4  }
0xb4: {  	[dreg:$0x5] =	wrdreg s5  }
0xb5: {  	[dreg:$0x6] =	wrdreg $0x159000  }
0xb6: {  	[dreg:$0x7] =	wrdreg $0x9  }
0xb7: {  	_ =	task.clear_ibuf [dreg:s10], $0x8FFFF;
	_ =	strace $0x90000046  }
0xb8: {  	s29 =	simm.s32 $0x9;
	_ =	strace $0x80000048  }
0xb9: {  	_ =	swait.ge [sflag:s29], $0x1  }
0xba: {  	[sflag:s29] =	ssyncadd.s32 $0xFFFFFFFF  }
0xbb: {  	_ =	strace $0x90000048  }
0xbc: {  	_ =	sfence  }
0xbd: {  	s30 =	sld [smem:$0x0];
	_ =	sdelay $0x2  }
0xbe: {  	s31 =	sshll.u32 s1, $0xD;
	s1 =	sshrl.u32 s1, $0x2  }
0xbf: {  	s3 =	sand.u32 $0x4000, s31;
	s1 =	sadd.s32 s1, s30  }
0xc0: {  	s0 =	sor.u32 s3, s0;
	s1 =	sshll.u32 s1, $0x11  }
0xc1: {  	s0 =	sor.u32 s1, s0  }
0xc2: {  	s0 =	sadd.s32 $0x8F2B, s0  }
0xc3: {  	[sflag:s0] =	ssyncadd.remote.s32 $0x1  }
0xc4: {  	_ =	sfence.sel $0xFFFF  }
0xc5: {  	[dreg:$0x0] =	wrdreg $0xFFFFFFFF;
	(pc) =	sbr.abs _section_cstart, $3  }
0xc6: {  	[dreg:$0x1] =	wrdreg $0xFFFFFFFF  }
0xc7: {  	_ =	task.clear_ibuf [dreg:s10], $0x2FFFF;
	_ =	strace $0x9FFFFFFF  }
0xc8: {  	(tm) =	ssettm $0x7FFFFFFF  }
0xc9: {  	_ =	shalt  }
tec
execute0_lowered:
.L_overlay_start_1:
0x0: {  	(tag) =	ssettag $0x1  }
0x1: {  	s13 =	rddreg [dreg:$0x0]  }
0x2: {  	s0 =	rddreg [dreg:$0x1]  }
0x3: {  	s1 =	rddreg [dreg:$0x2]  }
0x4: {  	s2 =	srdreg.scid;
	s5 =	rddreg [dreg:$0x3]  }
0x5: {  	s12 =	stileid.u32;
	s3 =	rddreg [dreg:$0x4];
	s28 =	simm.s32 $0x1E  }
0x6: {  	s2 =	sand.u32 $0x1, s2;
	s4 =	sshll.u32 s12, $0x1;
	s21 =	smul.u32 $0x190000, s12  }
0x7: {  	s22 =	sshll.u32 s12, $0xE;
	s23 =	sshll.u32 s12, $0xB;
	s11 =	smul.u32 $0xC8000, s2  }
0x8: {  	s6 =	sor.u32 s2, s4;
	s8 =	ssub.s32 $0x2, s2;
	s2 =	smul.u32 $0x19000, s2  }
0x9: {  	s24 =	sshll.u32 s12, $0x6;
	s4 =	simm.s32 $0x0;
	s7 =	smul.u32 $0xC8000, s6  }
0xa: {  	s1 =	sadd.s32 s1, s23;
	[smem:$0x7FF] =	sst s4;
	s10 =	smul.u32 $0x19000, s6  }
0xb: {  	s9 =	sshrl.u32 s8, $0x1;
	s6 =	smul.u32 $0x1900, s6;
	_ =	strace $0x80000047  }
0xc: {  	s8 =	ssub.s32 s8, s9;
	s9 =	sadd.s32 s22, s3;
	[dreg:$0xd] =	wrdreg s1  }
0xd: {  	s1 =	sor.u32 $0x1C1F, s24;
	s26 =	sadd.s32 s11, s21;
	s7 =	sshrl.u32 s7, $0x3  }
0xe: {  	s14 =	sadd.s32 s13, s10;
	[dreg:$0xe] =	wrdreg s1;
	s25 =	sshrl.u32 s6, $0x3  }
0xf: {  	s29 =	sadd.s32 $0x26000, s26;
	s30 =	sadd.s32 $0x24000, s26;
	s31 =	smax.u32 s8, $0x1  }
0x10: {  	s8 =	sadd.s32 $0x20000, s26;
	s10 =	smul.u32 $0x32000, s12;
	s12 =	sadd.s32 $0x1E000, s26  }
0x11: {  	s15 =	sadd.s32 $0x1C000, s26;
	s21 =	sadd.s32 $0x18000, s26;
	[dreg:$0x10] =	wrdreg s31  }
0x12: {  	s22 =	sadd.s32 $0x16000, s26;
	s0 =	sadd.s32 s0, s25;
	[dreg:$0x6] =	wrdreg s14  }
0x13: {  	s6 =	simm.s32 $0x15;
	s25 =	sadd.s32 $0x14000, s26;
	[dreg:$0xf] =	wrdreg s0  }
0x14: {  	s1 =	sshrl.u32 s30, $0x3;
	s30 =	sadd.s32 $0x800, s14;
	[dreg:$0x1b] =	wrdreg s25  }
0x15: {  	s7 =	sadd.s32 s13, s7;
	s31 =	sadd.s32 $0xC00, s14;
	[dreg:$0x1e] =	wrdreg s30  }
0x16: {  	s11 =	sshrl.u32 s8, $0x3;
	s16 =	sadd.s32 $0x1000, s7;
	[dreg:$0x1f] =	wrdreg s31  }
0x17: {  	s8 =	simm.s32 $0x17;
	s17 =	sadd.s32 $0x1400, s7;
	[dreg:$0x7] =	wrdreg s16  }
0x18: {  	s18 =	sadd.s32 $0x1800, s7;
	s19 =	sadd.s32 $0x1C00, s7;
	[dreg:$0x8] =	wrdreg s17  }
0x19: {  	s20 =	sadd.s32 $0x2000, s7;
	s7 =	sadd.s32 $0x2400, s7;
	[dreg:$0x9] =	wrdreg s18  }
0x1a: {  	s0 =	sshrl.u32 s29, $0x3;
	s1 =	sadd.s32 s1, s13;
	[dreg:$0xa] =	wrdreg s19  }
0x1b: {  	s5 =	sadd.s32 s10, s5;
	s29 =	sadd.s32 $0x400, s14;
	[dreg:$0xb] =	wrdreg s20  }
0x1c: {  	s25 =	simm.s32 $0x13900;
	s10 =	simm.s32 $0x19;
	[dreg:$0xc] =	wrdreg s7  }
0x1d: {  	s0 =	sadd.s32 s0, s13;
	[dreg:$0x12] =	wrdreg s1;
	s7 =	sadd.s32 $0x22000, s26  }
0x1e: {  	s16 =	sshrl.u32 s12, $0x3;
	s17 =	sshrl.u32 s15, $0x3;
	s19 =	sadd.s32 s2, s5  }
0x1f: {  	s20 =	sadd.s32 $0x1A000, s26;
	s1 =	sshrl.u32 s21, $0x3;
	s2 =	sshrl.u32 s22, $0x3  }
0x20: {  	s26 =	sshrl.u32 s9, $0x3;
	[dreg:$0x1d] =	wrdreg s29;
	s21 =	simm.s32 $0xD900  }
0x21: {  	s5 =	simm.s32 $0x40;
	s22 =	simm.s32 $0x13;
	s9 =	simm.s32 $0x18  }
0x22: {  	s12 =	simm.s32 $0x1B;
	s15 =	simm.s32 $0x1D;
	[dreg:$0x11] =	wrdreg s0  }
0x23: {  	s0 =	sshrl.u32 s7, $0x3;
	s18 =	sadd.s32 s17, s13;
	[dreg:$0x17] =	wrdreg s19  }
0x24: {  	s23 =	sadd.s32 s1, s13;
	s24 =	sadd.s32 s2, s13;
	[dreg:$0x1c] =	wrdreg s26  }
0x25: {  	s1 =	simm.s32 $0x1900;
	s17 =	simm.s32 $0x5900;
	s19 =	simm.s32 $0x9900  }
0x26: {  	s2 =	simm.s32 $0xA;
	s7 =	simm.s32 $0x16;
	[dreg:$0x16] =	wrdreg s18  }
0x27: {  	s26 =	simm.s32 $0x0;
	s0 =	sadd.s32 s0, s13;
	[dreg:$0x19] =	wrdreg s23  }
0x28: {  	[dreg:$0x1a] =	wrdreg s24;
	s18 =	simm.s32 $0x7900;
	s23 =	simm.s32 $0xF900  }
.Ltmp0:
0x29: {  	[dreg:$0x13] =	wrdreg s0;
	s0 =	sadd.s32 s11, s13;
	(pc) =	sbr.rel .LBB2_1-.Ltmp0, $4  }
0x2a: {  	s24 =	simm.s32 $0x11900;
	[dreg:$0x14] =	wrdreg s0;
	s0 =	sadd.s32 s16, s13  }
0x2b: {  	s11 =	simm.s32 $0x1A;
	[dreg:$0x15] =	wrdreg s0;
	s0 =	sshrl.u32 s20, $0x3  }
0x2c: {  	s16 =	simm.s32 $0x3900;
	s20 =	simm.s32 $0xB900;
	s0 =	sadd.s32 s0, s13  }
0x2d: {  	s13 =	simm.s32 $0x1C;
	[dreg:$0x18] =	wrdreg s0;
	s0 =	simm.s32 $0x14  }
.LBB2_4:
0x2e: {  	_ =	swait.ge [sflag:s7], $0x2000  }
0x2f: {  	[sflag:s7] =	ssyncset.done $0x0  }
0x30: {  	[sflag:s7] =	ssyncadd.s32 $0xFFFFE000  }
0x31: {  	_ =	swait.ge [sflag:s8], $0x2000  }
0x32: {  	[sflag:s8] =	ssyncset.done $0x0  }
0x33: {  	[sflag:s8] =	ssyncadd.s32 $0xFFFFE000  }
0x34: {  	_ =	swait.ge [sflag:s9], $0x2000  }
0x35: {  	[sflag:s9] =	ssyncset.done $0x0  }
0x36: {  	[sflag:s9] =	ssyncadd.s32 $0xFFFFE000  }
0x37: {  	_ =	swait.ge [sflag:s10], $0x2000  }
0x38: {  	[sflag:s10] =	ssyncset.done $0x0  }
0x39: {  	[sflag:s10] =	ssyncadd.s32 $0xFFFFE000  }
0x3a: {  	_ =	swait.ge [sflag:s11], $0x2000  }
0x3b: {  	[sflag:s11] =	ssyncset.done $0x0  }
0x3c: {  	[sflag:s11] =	ssyncadd.s32 $0xFFFFE000  }
0x3d: {  	_ =	swait.ge [sflag:s12], $0x2000  }
0x3e: {  	[sflag:s12] =	ssyncset.done $0x0  }
0x3f: {  	[sflag:s12] =	ssyncadd.s32 $0xFFFFE000  }
0x40: {  	_ =	swait.ge [sflag:s13], $0x2000  }
0x41: {  	[sflag:s13] =	ssyncset.done $0x0  }
0x42: {  	[sflag:s13] =	ssyncadd.s32 $0xFFFFE000  }
0x43: {  	_ =	swait.ge [sflag:s15], $0x2000  }
0x44: {  	[sflag:s15] =	ssyncset.done $0x0  }
0x45: {  	[sflag:s15] =	ssyncadd.s32 $0xFFFFE000  }
0x46: {  	_ =	swait.ge [sflag:s28], $0x2000  }
0x47: {  	s26 =	sld [smem:$0x7FD];
	_ =	sdelay $0x2  }
0x48: {  	s14 =	rddreg [dreg:$0x10];
	s26 =	sadd.s32 $0x1, s26  }
0x49: {  	p0 =	sne.s32 s26, s14  }
.Ltmp1:
0x4a: {  	_ = 	snop;
	(pc) =	sbr.rel @!p0 .LBB2_5-.Ltmp1, $4  }
0x4b: {  	s1 =	simm.s32 $0x1900;
	s16 =	simm.s32 $0x3900;
	s17 =	simm.s32 $0x5900  }
0x4c: {  	s18 =	simm.s32 $0x7900;
	s19 =	simm.s32 $0x9900;
	s20 =	simm.s32 $0xB900  }
0x4d: {  	s21 =	simm.s32 $0xD900;
	s23 =	simm.s32 $0xF900;
	[sflag:s28] =	ssyncset.done $0x0  }
0x4e: {  	s24 =	simm.s32 $0x11900;
	s25 =	simm.s32 $0x13900;
	[sflag:s28] =	ssyncadd.s32 $0xFFFFE000  }
.LBB2_1:
0x4f: {  	[smem:$0x7FD] =	sst s26  }
0x50: {  	s14 =	rddreg [dreg:$0x6]  }
0x51: {  	s26 =	rddreg [dreg:$0xd]  }
0x52: {  	s31 =	rddreg [dreg:$0xe]  }
0x53: {  	s29 =	rddreg [dreg:$0x1c]  }
0x54: {  	[tilespmem:s1], [sflag:$0x1] =	stream.linear.gather [hbm4b:s14+s4], $0x2000, $0x38;
	[tilespmem:$0x19900] =	vst v63  }
0x55: {  	s1 =	rddreg [dreg:$0x1d]  }
0x56: {  	[tilespmem:s16], [sflag:$0x2] =	stream.linear.gather [hbm4b:s1+s4], $0x2000, $0x38;
	[tilespmem:$0x19900] =	vst v63  }
0x57: {  	s16 =	rddreg [dreg:$0x1e]  }
0x58: {  	[tilespmem:s17], [sflag:$0x3] =	stream.linear.gather [hbm4b:s16+s4], $0x2000, $0x38;
	[tilespmem:$0x19900] =	vst v63  }
0x59: {  	s17 =	rddreg [dreg:$0x1f]  }
0x5a: {  	[tilespmem:s18], [sflag:$0x4] =	stream.linear.gather [hbm4b:s17+s4], $0x2000, $0x38;
	[tilespmem:$0x19900] =	vst v63  }
0x5b: {  	s18 =	rddreg [dreg:$0x7]  }
0x5c: {  	[tilespmem:s19], [sflag:$0x5] =	stream.linear.gather [hbm4b:s18+s4], $0x2000, $0x38;
	[tilespmem:$0x19900] =	vst v63  }
0x5d: {  	s19 =	rddreg [dreg:$0x8]  }
0x5e: {  	[tilespmem:s20], [sflag:$0x6] =	stream.linear.gather [hbm4b:s19+s4], $0x2000, $0x38;
	[tilespmem:$0x19900] =	vst v63  }
0x5f: {  	s20 =	rddreg [dreg:$0x9]  }
0x60: {  	[tilespmem:s21], [sflag:$0x7] =	stream.linear.gather [hbm4b:s20+s4], $0x2000, $0x38;
	[tilespmem:$0x19900] =	vst v63  }
0x61: {  	s21 =	rddreg [dreg:$0xa]  }
0x62: {  	[tilespmem:s23], [sflag:$0x8] =	stream.linear.gather [hbm4b:s21+s4], $0x2000, $0x38;
	[tilespmem:$0x19900] =	vst v63  }
0x63: {  	s23 =	rddreg [dreg:$0xb]  }
0x64: {  	[tilespmem:s24], [sflag:$0x9] =	stream.linear.gather [hbm4b:s23+s4], $0x2000, $0x38;
	[tilespmem:$0x19900] =	vst v63  }
0x65: {  	s24 =	rddreg [dreg:$0xc]  }
0x66: {  	[tilespmem:s25], [sflag:$0xA] =	stream.linear.gather [hbm4b:s24+s4], $0x2000, $0x38;
	[tilespmem:$0x19900] =	vst v63  }
0x67: {  	[spmem:s29], [sflag:s31] =	dma.local [hbm:s26], $0x800  }
0x68: {  	s26 =	simm.s32 $0x1F  }
0x69: {  	_ =	swait.ge [sflag:s26], $0x800  }
0x6a: {  	s30 =	simm.s32 $0x0;
	[sflag:s26] =	ssyncset.done $0x0  }
0x6b: {  	s1 =	simm.s32 $0x1900;
	s16 =	simm.s32 $0x3900;
	[sflag:s26] =	ssyncadd.s32 $0xFFFFF800  }
0x6c: {  	s17 =	simm.s32 $0x5900;
	s18 =	simm.s32 $0x7900;
	[bflag:$0x0] =	sbarrier.arrive $0xFFFF  }
0x6d: {  	s19 =	simm.s32 $0x9900;
	s20 =	simm.s32 $0xB900;
	s31 =	rddreg [dreg:$0xf]  }
0x6e: {  	[tilespmem:s4], [sflag:$0x1F] =	stream.linear.gather [hbm4b:s31+s4], $0x1900, $0x38;
	[tilespmem:$0x19900] =	vst v63  }
0x6f: {  	s21 =	simm.s32 $0xD900;
	s23 =	simm.s32 $0xF900;
	_ =	swait.ge [sflag:s26], $0x1900  }
0x70: {  	s24 =	simm.s32 $0x11900;
	s25 =	simm.s32 $0x13900;
	[sflag:s26] =	ssyncset.done $0x0  }
0x71: {  	s29 =	simm.s32 $0x240;
	[sflag:s26] =	ssyncadd.s32 $0xFFFFE700;
	s26 =	rddreg [dreg:$0x1b]  }
.LBB2_2:
0x72: {  	s14 =	simm.s32 $0x1  }
0x73: {  	_ =	swait.ge [sflag:s14], $0x2000  }
0x74: {  	[sflag:s14] =	ssyncset.done $0x0  }
0x75: {  	s31 =	sadd.s32 $0xFFFFFDC0, s29;
	[sflag:s14] =	ssyncadd.s32 $0xFFFFE000  }
0x76: {  	[tilespmem:s1], [sflag:$0xB] =	stream.indirect.gather.add.f32 [spmem:s3], $0x80, s31, s5, $0xb8;
	[tilespmem:$0x19900] =	vst v63  }
0x77: {  	s31 =	simm.s32 $0xB  }
0x78: {  	_ =	swait.ge [sflag:s31], $0x2000  }
0x79: {  	[sflag:s31] =	ssyncset.done $0x0  }
0x7a: {  	[sflag:s31] =	ssyncadd.s32 $0xFFFFE000;
	s31 =	rddreg [dreg:$0x17]  }
0x7b: {  	s14 =	simm.s32 $0x2;
	s31 =	sadd.s32 s30, s31  }
0x7c: {  	[hbm4b:s31+s4] =	stream.linear.scatter [tilespmem:s1], [sflag:$0x15], $0x2000, $0x38;
	[tilespmem:$0x19900] =	vst v63  }
0x7d: {  	_ =	swait.ge [sflag:s14], $0x2000  }
0x7e: {  	[sflag:s14] =	ssyncset.done $0x0  }
0x7f: {  	[sflag:s14] =	ssyncadd.s32 $0xFFFFE000;
	s14 =	sadd.s32 $0xFFFFFE00, s29  }
0x80: {  	[tilespmem:s16], [sflag:$0xC] =	stream.indirect.gather.add.f32 [spmem:s3], $0x80, s14, s5, $0xb8;
	[tilespmem:$0x19900] =	vst v63  }
0x81: {  	s14 =	simm.s32 $0xC  }
0x82: {  	_ =	swait.ge [sflag:s14], $0x2000  }
0x83: {  	[sflag:s14] =	ssyncset.done $0x0  }
0x84: {  	[sflag:s14] =	ssyncadd.s32 $0xFFFFE000;
	s14 =	sadd.s32 $0x400, s31  }
0x85: {  	[hbm4b:s14+s4] =	stream.linear.scatter [tilespmem:s16], [sflag:$0x16], $0x2000, $0x38;
	[tilespmem:$0x19900] =	vst v63  }
0x86: {  	s14 =	simm.s32 $0x3  }
0x87: {  	_ =	swait.ge [sflag:s14], $0x2000  }
0x88: {  	[sflag:s14] =	ssyncset.done $0x0  }
0x89: {  	[sflag:s14] =	ssyncadd.s32 $0xFFFFE000;
	s14 =	sadd.s32 $0xFFFFFE40, s29  }
0x8a: {  	[tilespmem:s17], [sflag:$0xD] =	stream.indirect.gather.add.f32 [spmem:s3], $0x80, s14, s5, $0xb8;
	[tilespmem:$0x19900] =	vst v63  }
0x8b: {  	s14 =	simm.s32 $0xD  }
0x8c: {  	_ =	swait.ge [sflag:s14], $0x2000  }
0x8d: {  	[sflag:s14] =	ssyncset.done $0x0  }
0x8e: {  	[sflag:s14] =	ssyncadd.s32 $0xFFFFE000;
	s14 =	sadd.s32 $0x800, s31  }
0x8f: {  	[hbm4b:s14+s4] =	stream.linear.scatter [tilespmem:s17], [sflag:$0x17], $0x2000, $0x38;
	[tilespmem:$0x19900] =	vst v63  }
0x90: {  	s14 =	simm.s32 $0x4  }
0x91: {  	_ =	swait.ge [sflag:s14], $0x2000  }
0x92: {  	[sflag:s14] =	ssyncset.done $0x0  }
0x93: {  	[sflag:s14] =	ssyncadd.s32 $0xFFFFE000;
	s14 =	sadd.s32 $0xFFFFFE80, s29  }
0x94: {  	[tilespmem:s18], [sflag:$0xE] =	stream.indirect.gather.add.f32 [spmem:s3], $0x80, s14, s5, $0xb8;
	[tilespmem:$0x19900] =	vst v63  }
0x95: {  	s14 =	simm.s32 $0xE  }
0x96: {  	_ =	swait.ge [sflag:s14], $0x2000  }
0x97: {  	[sflag:s14] =	ssyncset.done $0x0  }
0x98: {  	[sflag:s14] =	ssyncadd.s32 $0xFFFFE000;
	s14 =	sadd.s32 $0xC00, s31  }
0x99: {  	[hbm4b:s14+s4] =	stream.linear.scatter [tilespmem:s18], [sflag:$0x18], $0x2000, $0x38;
	[tilespmem:$0x19900] =	vst v63  }
0x9a: {  	s14 =	simm.s32 $0x5  }
0x9b: {  	_ =	swait.ge [sflag:s14], $0x2000  }
0x9c: {  	[sflag:s14] =	ssyncset.done $0x0  }
0x9d: {  	[sflag:s14] =	ssyncadd.s32 $0xFFFFE000;
	s14 =	sadd.s32 $0xFFFFFEC0, s29  }
0x9e: {  	[tilespmem:s19], [sflag:$0xF] =	stream.indirect.gather.add.f32 [spmem:s3], $0x80, s14, s5, $0xb8;
	[tilespmem:$0x19900] =	vst v63  }
0x9f: {  	s14 =	simm.s32 $0xF  }
0xa0: {  	_ =	swait.ge [sflag:s14], $0x2000  }
0xa1: {  	[sflag:s14] =	ssyncset.done $0x0  }
0xa2: {  	[sflag:s14] =	ssyncadd.s32 $0xFFFFE000;
	s14 =	sadd.s32 $0x1000, s31  }
0xa3: {  	[hbm4b:s14+s4] =	stream.linear.scatter [tilespmem:s19], [sflag:$0x19], $0x2000, $0x38;
	[tilespmem:$0x19900] =	vst v63  }
0xa4: {  	s14 =	simm.s32 $0x6  }
0xa5: {  	_ =	swait.ge [sflag:s14], $0x2000  }
0xa6: {  	[sflag:s14] =	ssyncset.done $0x0  }
0xa7: {  	[sflag:s14] =	ssyncadd.s32 $0xFFFFE000;
	s14 =	sadd.s32 $0xFFFFFF00, s29  }
0xa8: {  	[tilespmem:s20], [sflag:$0x10] =	stream.indirect.gather.add.f32 [spmem:s3], $0x80, s14, s5, $0xb8;
	[tilespmem:$0x19900] =	vst v63  }
0xa9: {  	s14 =	simm.s32 $0x10  }
0xaa: {  	_ =	swait.ge [sflag:s14], $0x2000  }
0xab: {  	[sflag:s14] =	ssyncset.done $0x0  }
0xac: {  	[sflag:s14] =	ssyncadd.s32 $0xFFFFE000;
	s14 =	sadd.s32 $0x1400, s31  }
0xad: {  	[hbm4b:s14+s4] =	stream.linear.scatter [tilespmem:s20], [sflag:$0x1A], $0x2000, $0x38;
	[tilespmem:$0x19900] =	vst v63  }
0xae: {  	s14 =	simm.s32 $0x7  }
0xaf: {  	_ =	swait.ge [sflag:s14], $0x2000  }
0xb0: {  	[sflag:s14] =	ssyncset.done $0x0  }
0xb1: {  	[sflag:s14] =	ssyncadd.s32 $0xFFFFE000;
	s14 =	sadd.s32 $0xFFFFFF40, s29  }
0xb2: {  	[tilespmem:s21], [sflag:$0x11] =	stream.indirect.gather.add.f32 [spmem:s3], $0x80, s14, s5, $0xb8;
	[tilespmem:$0x19900] =	vst v63  }
0xb3: {  	s14 =	simm.s32 $0x11  }
0xb4: {  	_ =	swait.ge [sflag:s14], $0x2000  }
0xb5: {  	[sflag:s14] =	ssyncset.done $0x0  }
0xb6: {  	[sflag:s14] =	ssyncadd.s32 $0xFFFFE000;
	s14 =	sadd.s32 $0x1800, s31  }
0xb7: {  	[hbm4b:s14+s4] =	stream.linear.scatter [tilespmem:s21], [sflag:$0x1B], $0x2000, $0x38;
	[tilespmem:$0x19900] =	vst v63  }
0xb8: {  	s14 =	simm.s32 $0x8  }
0xb9: {  	_ =	swait.ge [sflag:s14], $0x2000  }
0xba: {  	[sflag:s14] =	ssyncset.done $0x0  }
0xbb: {  	[sflag:s14] =	ssyncadd.s32 $0xFFFFE000;
	s14 =	sadd.s32 $0xFFFFFF80, s29  }
0xbc: {  	[tilespmem:s23], [sflag:$0x12] =	stream.indirect.gather.add.f32 [spmem:s3], $0x80, s14, s5, $0xb8;
	[tilespmem:$0x19900] =	vst v63  }
0xbd: {  	s14 =	simm.s32 $0x12  }
0xbe: {  	_ =	swait.ge [sflag:s14], $0x2000  }
0xbf: {  	[sflag:s14] =	ssyncset.done $0x0  }
0xc0: {  	[sflag:s14] =	ssyncadd.s32 $0xFFFFE000;
	s14 =	sadd.s32 $0x1C00, s31  }
0xc1: {  	[hbm4b:s14+s4] =	stream.linear.scatter [tilespmem:s23], [sflag:$0x1C], $0x2000, $0x38;
	[tilespmem:$0x19900] =	vst v63  }
0xc2: {  	s14 =	simm.s32 $0x9  }
0xc3: {  	_ =	swait.ge [sflag:s14], $0x2000  }
0xc4: {  	[sflag:s14] =	ssyncset.done $0x0  }
0xc5: {  	[sflag:s14] =	ssyncadd.s32 $0xFFFFE000;
	s14 =	sadd.s32 $0xFFFFFFC0, s29  }
0xc6: {  	[tilespmem:s24], [sflag:$0x13] =	stream.indirect.gather.add.f32 [spmem:s3], $0x80, s14, s5, $0xb8;
	[tilespmem:$0x19900] =	vst v63  }
0xc7: {  	_ =	swait.ge [sflag:s22], $0x2000  }
0xc8: {  	[sflag:s22] =	ssyncset.done $0x0  }
0xc9: {  	s14 =	sadd.s32 $0x2000, s31;
	[sflag:s22] =	ssyncadd.s32 $0xFFFFE000  }
0xca: {  	[hbm4b:s14+s4] =	stream.linear.scatter [tilespmem:s24], [sflag:$0x1D], $0x2000, $0x38;
	[tilespmem:$0x19900] =	vst v63  }
0xcb: {  	_ =	swait.ge [sflag:s2], $0x2000  }
0xcc: {  	[sflag:s2] =	ssyncset.done $0x0  }
0xcd: {  	[sflag:s2] =	ssyncadd.s32 $0xFFFFE000  }
0xce: {  	[tilespmem:s25], [sflag:$0x14] =	stream.indirect.gather.add.f32 [spmem:s3], $0x80, s29, s5, $0xb8;
	[tilespmem:$0x19900] =	vst v63  }
0xcf: {  	_ =	swait.ge [sflag:s0], $0x2000  }
0xd0: {  	p0 =	seq.s32 s30, $0x16800;
	[sflag:s0] =	ssyncset.done $0x0  }
.Ltmp2:
0xd1: {  	s31 =	sadd.s32 $0x2400, s31;
	[sflag:s0] =	ssyncadd.s32 $0xFFFFE000;
	(pc) =	sbr.rel @p0 .LBB2_4-.Ltmp2, $4  }
0xd2: {  	[hbm4b:s31+s4] =	stream.linear.scatter [tilespmem:s25], [sflag:$0x1E], $0x2000, $0x38;
	[tilespmem:$0x19900] =	vst v63  }
0xd3: {  	_ =	swait.ge [sflag:s6], $0x2000  }
0xd4: {  	[sflag:s6] =	ssyncset.done $0x0  }
0xd5: {  	[sflag:s6] =	ssyncadd.s32 $0xFFFFE000  }
0xd6: {  	s14 =	sshrl.u32 s26, $0x3;
	s31 =	rddreg [dreg:$0x0]  }
0xd7: {  	s14 =	sadd.s32 s31, s14  }
0xd8: {  	[tilespmem:s1], [sflag:$0x1] =	stream.linear.gather [hbm4b:s14+s4], $0x2000, $0x38;
	[tilespmem:$0x19900] =	vst v63  }
0xd9: {  	_ =	swait.ge [sflag:s7], $0x2000  }
0xda: {  	[sflag:s7] =	ssyncset.done $0x0;
	s31 =	rddreg [dreg:$0x1a]  }
0xdb: {  	[sflag:s7] =	ssyncadd.s32 $0xFFFFE000;
	s14 =	sadd.s32 s30, s31  }
0xdc: {  	[tilespmem:s16], [sflag:$0x2] =	stream.linear.gather [hbm4b:s14+s4], $0x2000, $0x38;
	[tilespmem:$0x19900] =	vst v63  }
0xdd: {  	_ =	swait.ge [sflag:s8], $0x2000  }
0xde: {  	[sflag:s8] =	ssyncset.done $0x0;
	s31 =	rddreg [dreg:$0x19]  }
0xdf: {  	[sflag:s8] =	ssyncadd.s32 $0xFFFFE000;
	s14 =	sadd.s32 s30, s31  }
0xe0: {  	[tilespmem:s17], [sflag:$0x3] =	stream.linear.gather [hbm4b:s14+s4], $0x2000, $0x38;
	[tilespmem:$0x19900] =	vst v63  }
0xe1: {  	_ =	swait.ge [sflag:s9], $0x2000  }
0xe2: {  	[sflag:s9] =	ssyncset.done $0x0;
	s31 =	rddreg [dreg:$0x18]  }
0xe3: {  	[sflag:s9] =	ssyncadd.s32 $0xFFFFE000;
	s14 =	sadd.s32 s30, s31  }
0xe4: {  	[tilespmem:s18], [sflag:$0x4] =	stream.linear.gather [hbm4b:s14+s4], $0x2000, $0x38;
	[tilespmem:$0x19900] =	vst v63  }
0xe5: {  	_ =	swait.ge [sflag:s10], $0x2000  }
0xe6: {  	[sflag:s10] =	ssyncset.done $0x0;
	s31 =	rddreg [dreg:$0x16]  }
0xe7: {  	[sflag:s10] =	ssyncadd.s32 $0xFFFFE000;
	s14 =	sadd.s32 s30, s31  }
0xe8: {  	[tilespmem:s19], [sflag:$0x5] =	stream.linear.gather [hbm4b:s14+s4], $0x2000, $0x38;
	[tilespmem:$0x19900] =	vst v63  }
0xe9: {  	_ =	swait.ge [sflag:s11], $0x2000  }
0xea: {  	[sflag:s11] =	ssyncset.done $0x0;
	s31 =	rddreg [dreg:$0x15]  }
0xeb: {  	[sflag:s11] =	ssyncadd.s32 $0xFFFFE000;
	s14 =	sadd.s32 s30, s31  }
0xec: {  	[tilespmem:s20], [sflag:$0x6] =	stream.linear.gather [hbm4b:s14+s4], $0x2000, $0x38;
	[tilespmem:$0x19900] =	vst v63  }
0xed: {  	_ =	swait.ge [sflag:s12], $0x2000  }
0xee: {  	[sflag:s12] =	ssyncset.done $0x0;
	s31 =	rddreg [dreg:$0x14]  }
0xef: {  	[sflag:s12] =	ssyncadd.s32 $0xFFFFE000;
	s14 =	sadd.s32 s30, s31  }
0xf0: {  	[tilespmem:s21], [sflag:$0x7] =	stream.linear.gather [hbm4b:s14+s4], $0x2000, $0x38;
	[tilespmem:$0x19900] =	vst v63  }
0xf1: {  	_ =	swait.ge [sflag:s13], $0x2000  }
0xf2: {  	[sflag:s13] =	ssyncset.done $0x0;
	s31 =	rddreg [dreg:$0x13]  }
0xf3: {  	[sflag:s13] =	ssyncadd.s32 $0xFFFFE000;
	s14 =	sadd.s32 s30, s31  }
0xf4: {  	[tilespmem:s23], [sflag:$0x8] =	stream.linear.gather [hbm4b:s14+s4], $0x2000, $0x38;
	[tilespmem:$0x19900] =	vst v63  }
0xf5: {  	_ =	swait.ge [sflag:s15], $0x2000  }
0xf6: {  	[sflag:s15] =	ssyncset.done $0x0;
	s31 =	rddreg [dreg:$0x12]  }
0xf7: {  	[sflag:s15] =	ssyncadd.s32 $0xFFFFE000;
	s14 =	sadd.s32 s30, s31  }
0xf8: {  	[tilespmem:s24], [sflag:$0x9] =	stream.linear.gather [hbm4b:s14+s4], $0x2000, $0x38;
	[tilespmem:$0x19900] =	vst v63  }
.Ltmp3:
0xf9: {  	_ = 	snop;
	(pc) =	sbr.rel .LBB2_2-.Ltmp3, $4  }
0xfa: {  	s26 =	sadd.s32 $0x14000, s26;
	_ =	swait.ge [sflag:s28], $0x2000  }
0xfb: {  	s29 =	sadd.s32 $0x280, s29;
	[sflag:s28] =	ssyncset.done $0x0;
	s31 =	rddreg [dreg:$0x11]  }
0xfc: {  	[sflag:s28] =	ssyncadd.s32 $0xFFFFE000;
	s14 =	sadd.s32 s30, s31;
	s30 =	sadd.s32 $0x2800, s30  }
0xfd: {  	[tilespmem:s25], [sflag:$0xA] =	stream.linear.gather [hbm4b:s14+s4], $0x2000, $0x38;
	[tilespmem:$0x19900] =	vst v63  }
.LBB2_5:
0xfe: {  	_ =	sfence.sel $0x180000  }
0xff: {  	[bflag:$0x0] =	sbarrier.arrive $0xFFFF  }
0x100: {  	_ =	strace $0x90000047  }
0x101: {  	s0 =	stileid.u32;
	[bflag:$0x2] =	sbarrier.arrive $0xFFFF  }
0x102: {  	p0 =	sne.s32 s0, $0x0;
	s0 =	rddreg [dreg:$0x5]  }
0x103: {  	s0 =	sadd.s32 @!p0 $0x100000, s0  }
0x104: {  	[sflag:s0] =	ssyncadd.tile.s32 @!p0 $0x1;
	_ =	shalt  }
.Lfunc_end2:
_tile_overlayer_lowered:
.L_overlay_start_2:
0x105: {  	(tag) =	ssettag $0x2  }
0x106: {  	s0 =	rddreg [dreg:$0x0];
	s2 =	stileid.u32  }
0x107: {  	s1 =	rddreg [dreg:$0x1];
	p0 =	sne.s32 s2, $0x0  }
0x108: {  	s3 =	rddreg [dreg:$0x2];
	[bflag:$0x3] =	sbarrier.arrive $0xFFFF;
	s2 =	simm.s32 @!p0 $0x1C1F  }
0x109: {  	[timem:s3], [sflag:s2] =	dma.local @!p0 [hbm:s0], s1  }
0x10a: {  	s0 =	simm.s32 @!p0 $0x1F  }
0x10b: {  	_ =	swait.ge @!p0 [sflag:s0], s1  }
0x10c: {  	s1 =	ssub.s32 @!p0 $0x0, s1;
	[sflag:s0] =	ssyncset.done @!p0 $0x0  }
0x10d: {  	[sflag:s0] =	ssyncadd.s32 @!p0 s1  }
0x10e: {  	[bflag:$0x3] =	sbarrier.arrive $0xFFFF  }
0x10f: {  	_ =	shalt  }

</sc_bundles>
